<compile_context>
chip_gen: v7x
topology: tpu7x:2x2x1
jax: 0.10.2.dev20260603
libtpu: 0.0.44.dev20260713+nightly
codegen_flags: <defaults>
</compile_context>

<pallas_src>
import functools

import jax
import jax.numpy as jnp
from jax import lax
from jax.experimental import pallas as pl
from jax.experimental.pallas import tpu as pltpu
from jax.experimental.pallas import tpu_sc as plsc

_NC = 2
_NS = 16
_NW = _NC * _NS
_L = 16
_D = 1024
_BATCH = 4
_SEQ = 2048
_ROWS_W = _SEQ // _NW
_PASS_ROWS = 32
_N_PASS = _ROWS_W // _PASS_ROWS
_CH = 16
_CPB = _PASS_ROWS // _CH
_T = _BATCH * _CPB
_NBUF = 4
_SLICES = _CH * (_D // _L)


def _sc_body(x_hbm, pe_hbm, o_hbm, pe_v, x_bufs,
             is0, is1, is2, is3, os0, os1, os2, os3):
    cid = lax.axis_index("c")
    sid = lax.axis_index("s")
    wid = sid * _NC + cid
    band0 = wid * _ROWS_W
    in_sems = (is0, is1, is2, is3)
    out_sems = (os0, os1, os2, os3)

    def pass_body(p, carry):
        pe_row0 = band0 + p * _PASS_ROWS

        def xrow(t):
            b = t // _CPB
            c = t % _CPB
            return b * _SEQ + pe_row0 + c * _CH

        def start_in(t):
            s = t % _NBUF
            return pltpu.async_copy(
                x_hbm.at[pl.ds(xrow(t), _CH)], x_bufs.at[s], in_sems[s])

        in_d = {}
        out_d = {}
        in_d[0] = start_in(0)
        in_d[1] = start_in(1)
        pltpu.sync_copy(pe_hbm.at[pl.ds(pe_row0, _PASS_ROWS)], pe_v)

        in_d[2] = start_in(2)
        for t in range(_T):
            s = t % _NBUF
            in_d[t].wait()
            c = t % _CPB

            @plsc.parallel_loop(0, _SLICES, unroll=8)
            def _(i):
                r = i >> 6
                sl = pl.ds((i & 63) * _L, _L)
                v = pe_v[c * _CH + r, sl]
                plsc.addupdate(x_bufs.at[s, r, sl], v)

            out_d[t] = pltpu.async_copy(
                x_bufs.at[s], o_hbm.at[pl.ds(xrow(t), _CH)], out_sems[s])
            if t + 3 < _T:
                if t >= 1:
                    out_d[t - 1].wait()
                in_d[t + 3] = start_in(t + 3)
        for t in range(_T - _NBUF, _T):
            out_d[t].wait()
        return carry

    lax.fori_loop(0, _N_PASS, pass_body, 0)


_sc_kernel = functools.partial(
    pl.kernel,
    out_type=jax.ShapeDtypeStruct((_BATCH * _SEQ, _D), jnp.float32),
    mesh=plsc.VectorSubcoreMesh(core_axis_name="c", subcore_axis_name="s"),
    scratch_types=[
        pltpu.VMEM((_PASS_ROWS, _D), jnp.float32),
        pltpu.VMEM((_NBUF, _CH, _D), jnp.float32),
        pltpu.SemaphoreType.DMA,
        pltpu.SemaphoreType.DMA,
        pltpu.SemaphoreType.DMA,
        pltpu.SemaphoreType.DMA,
        pltpu.SemaphoreType.DMA,
        pltpu.SemaphoreType.DMA,
        pltpu.SemaphoreType.DMA,
        pltpu.SemaphoreType.DMA,
    ],
)(_sc_body)


def kernel(x, pe_weight):
    B, S, D = x.shape
    out = _sc_kernel(x.reshape(B * S, D), pe_weight)
    return out.reshape(B, S, D)

# --- scband reference (transcript-rebuilt; emitter-appended) ---
"""Pipeline reference for scband-learned-positional-encoding-30786325578075 (READ-ONLY COPY).

The authoritative reference and input builder live on the scoring server;
editing this copy changes nothing except your own understanding.
"""

import jax, jax.numpy as jnp
import numpy as np

D_MODEL = 1024
MAX_LEN = 2048
BATCH = 4
SEQ_LEN = 2048

def setup_inputs(seed: int = 0) -> dict:
    key = jax.random.key(seed)
    k1, k2 = jax.random.split(key)
    x = jax.random.normal(k1, (BATCH, SEQ_LEN, D_MODEL), dtype=jnp.float32)
    pe_weight = jax.random.normal(k2, (MAX_LEN, D_MODEL), dtype=jnp.float32) * 0.02
    return {"x": x, "pe_weight": pe_weight}

def reference(x, pe_weight):
    seq_len = x.shape[1]
    positions = jnp.arange(seq_len)  # (seq_len,)
    pos_emb = jnp.take(pe_weight, positions, axis=0)  # (seq_len, d_model)
    pos_emb = pos_emb[None, :, :]  # (1, seq_len, d_model)
    return x + pos_emb

if __name__ == "__main__":
    import jax
    _d = setup_inputs()
    print(jax.jit(kernel)(*tuple(_d.values())))

</pallas_src>

<mosaic_0001>
#map = affine_map<(d0, d1) -> (0, 0)>
module attributes {stable_mosaic.version = 14 : i64} {
  func.func @_sc_body(%arg0: i32, %arg1: i32, %arg2: memref<8192x1024xf32, #tpu.memory_space<hbm>>, %arg3: memref<2048x1024xf32, #tpu.memory_space<hbm>>, %arg4: memref<8192x1024xf32, #tpu.memory_space<hbm>>, %arg5: memref<32x1024xf32, #tpu.memory_space<vmem>>, %arg6: memref<4x16x1024xf32, #tpu.memory_space<vmem>>, %arg7: memref<!tpu.dma_semaphore, #tpu.memory_space<semaphore_mem>>, %arg8: memref<!tpu.dma_semaphore, #tpu.memory_space<semaphore_mem>>, %arg9: memref<!tpu.dma_semaphore, #tpu.memory_space<semaphore_mem>>, %arg10: memref<!tpu.dma_semaphore, #tpu.memory_space<semaphore_mem>>, %arg11: memref<!tpu.dma_semaphore, #tpu.memory_space<semaphore_mem>>, %arg12: memref<!tpu.dma_semaphore, #tpu.memory_space<semaphore_mem>>, %arg13: memref<!tpu.dma_semaphore, #tpu.memory_space<semaphore_mem>>, %arg14: memref<!tpu.dma_semaphore, #tpu.memory_space<semaphore_mem>>) attributes {dimension_semantics = [#tpu.dimension_semantics<core_parallel>, #tpu.dimension_semantics<subcore_parallel>], iteration_bounds = array<i64: 2, 16>, scalar_prefetch = 0 : i64, scratch_operands = 10 : i64, tpu.core_type = #tpu.core_type<sc_vector_subcore>, window_params = [{transform_indices = #map}, {transform_indices = #map}, {transform_indices = #map}]} {
    %mul3A = arith.constant 2 : i32
    %mul3A_0 = arith.muli %arg1, %mul3A : i32
    %add3A = arith.addi %mul3A_0, %arg0 : i32
    %mul3A_1 = arith.constant 64 : i32
    %mul3A_2 = arith.muli %add3A, %mul3A_1 : i32
    %scan3A = arith.constant 0 : i32
    %scan3A_3 = arith.constant 0 : i32
    %scan3A_4 = arith.constant 2 : i32
    %scan3A_5 = arith.addi %scan3A_3, %scan3A_4 : i32
    %scan3A_6 = arith.constant 1 : i32
    scf.for %scan3A_8 = %scan3A_3 to %scan3A_5 step %scan3A_6  : i32 {
      %mul3A_9 = arith.constant 32 : i32
      %mul3A_10 = arith.muli %scan3A_8, %mul3A_9 : i32
      %add3A_11 = arith.addi %mul3A_2, %mul3A_10 : i32
      %add3A_12 = arith.constant 0 : i32
      %add3A_13 = arith.addi %add3A_12, %add3A_11 : i32
      %add3A_14 = arith.constant 0 : i32
      %add3A_15 = arith.addi %add3A_13, %add3A_14 : i32
      %dma_start3A = arith.constant 0 : i32
      %dma_start3A_16 = arith.constant 0 : i32
      %dma_start3A_17 = arith.constant 0 : i32
      %dma_start3A_18 = tpu.memref_slice %arg6[%dma_start3A, %dma_start3A_16, %dma_start3A_17] : memref<4x16x1024xf32, #tpu.memory_space<vmem>> -> memref<1x16x1024xf32, #tpu.memory_space<vmem>>
      %dma_start3A_19 = tpu.memref_squeeze %dma_start3A_18 : memref<1x16x1024xf32, #tpu.memory_space<vmem>> -> memref<16x1024xf32, #tpu.memory_space<vmem>>
      %dma_start3A_20 = arith.constant 0 : i32
      %dma_start3A_21 = tpu.memref_slice %arg2[%add3A_15, %dma_start3A_20] : memref<8192x1024xf32, #tpu.memory_space<hbm>> -> memref<16x1024xf32, #tpu.memory_space<hbm>>
      %dma_start3A_22 = arith.constant 0 : i32
      %dma_start3A_23 = arith.constant 0 : i32
      %dma_start3A_24 = tpu.memref_slice %arg6[%dma_start3A, %dma_start3A_22, %dma_start3A_23] : memref<4x16x1024xf32, #tpu.memory_space<vmem>> -> memref<1x16x1024xf32, #tpu.memory_space<vmem>>
      %dma_start3A_25 = tpu.memref_squeeze %dma_start3A_24 : memref<1x16x1024xf32, #tpu.memory_space<vmem>> -> memref<16x1024xf32, #tpu.memory_space<vmem>>
      %dma_start3A_26 = arith.constant 0 : i32
      %dma_start3A_27 = tpu.memref_slice %arg2[%add3A_15, %dma_start3A_26] : memref<8192x1024xf32, #tpu.memory_space<hbm>> -> memref<16x1024xf32, #tpu.memory_space<hbm>>
      tpu.enqueue_dma source(%dma_start3A_27 : memref<16x1024xf32, #tpu.memory_space<hbm>>) target(%dma_start3A_25 : memref<16x1024xf32, #tpu.memory_space<vmem>>) target_semaphore(%arg7 : memref<!tpu.dma_semaphore, #tpu.memory_space<semaphore_mem>>)
      %add3A_28 = arith.constant 0 : i32
      %add3A_29 = arith.addi %add3A_28, %add3A_11 : i32
      %add3A_30 = arith.constant 16 : i32
      %add3A_31 = arith.addi %add3A_29, %add3A_30 : i32
      %dma_start3A_32 = arith.constant 1 : i32
      %dma_start3A_33 = arith.constant 0 : i32
      %dma_start3A_34 = arith.constant 0 : i32
      %dma_start3A_35 = tpu.memref_slice %arg6[%dma_start3A_32, %dma_start3A_33, %dma_start3A_34] : memref<4x16x1024xf32, #tpu.memory_space<vmem>> -> memref<1x16x1024xf32, #tpu.memory_space<vmem>>
      %dma_start3A_36 = tpu.memref_squeeze %dma_start3A_35 : memref<1x16x1024xf32, #tpu.memory_space<vmem>> -> memref<16x1024xf32, #tpu.memory_space<vmem>>
      %dma_start3A_37 = arith.constant 0 : i32
      %dma_start3A_38 = tpu.memref_slice %arg2[%add3A_31, %dma_start3A_37] : memref<8192x1024xf32, #tpu.memory_space<hbm>> -> memref<16x1024xf32, #tpu.memory_space<hbm>>
      %dma_start3A_39 = arith.constant 0 : i32
      %dma_start3A_40 = arith.constant 0 : i32
      %dma_start3A_41 = tpu.memref_slice %arg6[%dma_start3A_32, %dma_start3A_39, %dma_start3A_40] : memref<4x16x1024xf32, #tpu.memory_space<vmem>> -> memref<1x16x1024xf32, #tpu.memory_space<vmem>>
      %dma_start3A_42 = tpu.memref_squeeze %dma_start3A_41 : memref<1x16x1024xf32, #tpu.memory_space<vmem>> -> memref<16x1024xf32, #tpu.memory_space<vmem>>
      %dma_start3A_43 = arith.constant 0 : i32
      %dma_start3A_44 = tpu.memref_slice %arg2[%add3A_31, %dma_start3A_43] : memref<8192x1024xf32, #tpu.memory_space<hbm>> -> memref<16x1024xf32, #tpu.memory_space<hbm>>
      tpu.enqueue_dma source(%dma_start3A_44 : memref<16x1024xf32, #tpu.memory_space<hbm>>) target(%dma_start3A_42 : memref<16x1024xf32, #tpu.memory_space<vmem>>) target_semaphore(%arg8 : memref<!tpu.dma_semaphore, #tpu.memory_space<semaphore_mem>>)
      "tpu.region"() ({
        %run_scoped3A = tpu.sem_alloc : memref<!tpu.dma_semaphore, #tpu.memory_space<semaphore_mem>>
        %dma_start3A_513 = arith.constant 0 : i32
        %dma_start3A_514 = tpu.memref_slice %arg3[%add3A_11, %dma_start3A_513] : memref<2048x1024xf32, #tpu.memory_space<hbm>> -> memref<32x1024xf32, #tpu.memory_space<hbm>>
        %dma_start3A_515 = arith.constant 0 : i32
        %dma_start3A_516 = tpu.memref_slice %arg3[%add3A_11, %dma_start3A_515] : memref<2048x1024xf32, #tpu.memory_space<hbm>> -> memref<32x1024xf32, #tpu.memory_space<hbm>>
        tpu.enqueue_dma source(%dma_start3A_516 : memref<32x1024xf32, #tpu.memory_space<hbm>>) target(%arg5 : memref<32x1024xf32, #tpu.memory_space<vmem>>) target_semaphore(%run_scoped3A : memref<!tpu.dma_semaphore, #tpu.memory_space<semaphore_mem>>)
        %dma_wait3A_517 = arith.constant 0 : i32
        %dma_wait3A_518 = tpu.memref_slice %arg3[%add3A_11, %dma_wait3A_517] : memref<2048x1024xf32, #tpu.memory_space<hbm>> -> memref<32x1024xf32, #tpu.memory_space<hbm>>
        %dma_wait3A_519 = arith.constant 0 : i32
        %dma_wait3A_520 = tpu.memref_slice %arg3[%add3A_11, %dma_wait3A_519] : memref<2048x1024xf32, #tpu.memory_space<hbm>> -> memref<32x1024xf32, #tpu.memory_space<hbm>>
        tpu.wait_dma2 semaphore(%run_scoped3A : memref<!tpu.dma_semaphore, #tpu.memory_space<semaphore_mem>>) src(%dma_wait3A_520 : memref<32x1024xf32, #tpu.memory_space<hbm>>) dst(%arg5 : memref<32x1024xf32, #tpu.memory_space<vmem>>)
        tpu.yield
      }) : () -> ()
      %add3A_45 = arith.constant 2048 : i32
      %add3A_46 = arith.addi %add3A_45, %add3A_11 : i32
      %add3A_47 = arith.constant 0 : i32
      %add3A_48 = arith.addi %add3A_46, %add3A_47 : i32
      %dma_start3A_49 = arith.constant 2 : i32
      %dma_start3A_50 = arith.constant 0 : i32
      %dma_start3A_51 = arith.constant 0 : i32
      %dma_start3A_52 = tpu.memref_slice %arg6[%dma_start3A_49, %dma_start3A_50, %dma_start3A_51] : memref<4x16x1024xf32, #tpu.memory_space<vmem>> -> memref<1x16x1024xf32, #tpu.memory_space<vmem>>
      %dma_start3A_53 = tpu.memref_squeeze %dma_start3A_52 : memref<1x16x1024xf32, #tpu.memory_space<vmem>> -> memref<16x1024xf32, #tpu.memory_space<vmem>>
      %dma_start3A_54 = arith.constant 0 : i32
      %dma_start3A_55 = tpu.memref_slice %arg2[%add3A_48, %dma_start3A_54] : memref<8192x1024xf32, #tpu.memory_space<hbm>> -> memref<16x1024xf32, #tpu.memory_space<hbm>>
      %dma_start3A_56 = arith.constant 0 : i32
      %dma_start3A_57 = arith.constant 0 : i32
      %dma_start3A_58 = tpu.memref_slice %arg6[%dma_start3A_49, %dma_start3A_56, %dma_start3A_57] : memref<4x16x1024xf32, #tpu.memory_space<vmem>> -> memref<1x16x1024xf32, #tpu.memory_space<vmem>>
      %dma_start3A_59 = tpu.memref_squeeze %dma_start3A_58 : memref<1x16x1024xf32, #tpu.memory_space<vmem>> -> memref<16x1024xf32, #tpu.memory_space<vmem>>
      %dma_start3A_60 = arith.constant 0 : i32
      %dma_start3A_61 = tpu.memref_slice %arg2[%add3A_48, %dma_start3A_60] : memref<8192x1024xf32, #tpu.memory_space<hbm>> -> memref<16x1024xf32, #tpu.memory_space<hbm>>
      tpu.enqueue_dma source(%dma_start3A_61 : memref<16x1024xf32, #tpu.memory_space<hbm>>) target(%dma_start3A_59 : memref<16x1024xf32, #tpu.memory_space<vmem>>) target_semaphore(%arg9 : memref<!tpu.dma_semaphore, #tpu.memory_space<semaphore_mem>>)
      %dma_wait3A = arith.constant 0 : i32
      %dma_wait3A_62 = arith.constant 0 : i32
      %dma_wait3A_63 = arith.constant 0 : i32
      %dma_wait3A_64 = tpu.memref_slice %arg6[%dma_wait3A, %dma_wait3A_62, %dma_wait3A_63] : memref<4x16x1024xf32, #tpu.memory_space<vmem>> -> memref<1x16x1024xf32, #tpu.memory_space<vmem>>
      %dma_wait3A_65 = tpu.memref_squeeze %dma_wait3A_64 : memref<1x16x1024xf32, #tpu.memory_space<vmem>> -> memref<16x1024xf32, #tpu.memory_space<vmem>>
      %dma_wait3A_66 = arith.constant 0 : i32
      %dma_wait3A_67 = tpu.memref_slice %arg2[%add3A_15, %dma_wait3A_66] : memref<8192x1024xf32, #tpu.memory_space<hbm>> -> memref<16x1024xf32, #tpu.memory_space<hbm>>
      %dma_wait3A_68 = arith.constant 0 : i32
      %dma_wait3A_69 = arith.constant 0 : i32
      %dma_wait3A_70 = tpu.memref_slice %arg6[%dma_wait3A, %dma_wait3A_68, %dma_wait3A_69] : memref<4x16x1024xf32, #tpu.memory_space<vmem>> -> memref<1x16x1024xf32, #tpu.memory_space<vmem>>
      %dma_wait3A_71 = tpu.memref_squeeze %dma_wait3A_70 : memref<1x16x1024xf32, #tpu.memory_space<vmem>> -> memref<16x1024xf32, #tpu.memory_space<vmem>>
      %dma_wait3A_72 = arith.constant 0 : i32
      %dma_wait3A_73 = tpu.memref_slice %arg2[%add3A_15, %dma_wait3A_72] : memref<8192x1024xf32, #tpu.memory_space<hbm>> -> memref<16x1024xf32, #tpu.memory_space<hbm>>
      tpu.wait_dma2 semaphore(%arg7 : memref<!tpu.dma_semaphore, #tpu.memory_space<semaphore_mem>>) src(%dma_wait3A_73 : memref<16x1024xf32, #tpu.memory_space<hbm>>) dst(%dma_wait3A_71 : memref<16x1024xf32, #tpu.memory_space<vmem>>)
      %parallel_loop3A = arith.constant 0 : i32
      %parallel_loop3A_74 = arith.constant 1024 : i32
      %parallel_loop3A_75 = arith.constant 1 : i32
      scf.for %parallel_loop3A_513 = %parallel_loop3A to %parallel_loop3A_74 step %parallel_loop3A_75  : i32 {
        %parallel_loop3A_514 = arith.constant 6 : i32
        %parallel_loop3A_515 = arith.shrsi %parallel_loop3A_513, %parallel_loop3A_514 : i32
        %parallel_loop3A_516 = arith.constant 63 : i32
        %parallel_loop3A_517 = arith.andi %parallel_loop3A_513, %parallel_loop3A_516 : i32
        %parallel_loop3A_518 = arith.constant 16 : i32
        %parallel_loop3A_519 = arith.muli %parallel_loop3A_517, %parallel_loop3A_518 : i32
        %parallel_loop3A_520 = arith.constant 0 : i32
        %parallel_loop3A_521 = arith.addi %parallel_loop3A_520, %parallel_loop3A_515 : i32
        %parallel_loop3A_522 = arith.index_cast %parallel_loop3A_521 : i32 to index
        %parallel_loop3A_523 = arith.index_cast %parallel_loop3A_519 : i32 to index
        %parallel_loop3A_524 = tpu.vector_load %arg5[%parallel_loop3A_522, %parallel_loop3A_523] {strides = array<i32>} : memref<32x1024xf32, #tpu.memory_space<vmem>>, vector<1x16xf32>,
        %parallel_loop3A_525 = vector.shape_cast %parallel_loop3A_524 : vector<1x16xf32> to vector<16xf32>
        %parallel_loop3A_526 = arith.constant 0 : i32
        %parallel_loop3A_527 = arith.index_cast %parallel_loop3A_526 : i32 to index
        %parallel_loop3A_528 = arith.index_cast %parallel_loop3A_515 : i32 to index
        %parallel_loop3A_529 = arith.index_cast %parallel_loop3A_519 : i32 to index
        %parallel_loop3A_530 = tpu.vector_load %arg6[%parallel_loop3A_527, %parallel_loop3A_528, %parallel_loop3A_529] {strides = array<i32>} : memref<4x16x1024xf32, #tpu.memory_space<vmem>>, vector<1x1x16xf32>,
        %parallel_loop3A_531 = vector.shape_cast %parallel_loop3A_530 : vector<1x1x16xf32> to vector<16xf32>
        %parallel_loop3A_532 = vector.shape_cast %parallel_loop3A_525 : vector<16xf32> to vector<1x1x16xf32>
        tpu.vector_store %arg6[%parallel_loop3A_527, %parallel_loop3A_528, %parallel_loop3A_529], %parallel_loop3A_532 {add = true, strides = array<i32>} : memref<4x16x1024xf32, #tpu.memory_space<vmem>>, vector<1x1x16xf32>,
      } {sc.loop_unroll_factor = 8 : i64, sc.parallel_access}
      %add3A_76 = arith.constant 0 : i32
      %add3A_77 = arith.addi %add3A_76, %add3A_11 : i32
      %add3A_78 = arith.constant 0 : i32
      %add3A_79 = arith.addi %add3A_77, %add3A_78 : i32
      %dma_start3A_80 = arith.constant 0 : i32
      %dma_start3A_81 = arith.constant 0 : i32
      %dma_start3A_82 = arith.constant 0 : i32
      %dma_start3A_83 = tpu.memref_slice %arg6[%dma_start3A_80, %dma_start3A_81, %dma_start3A_82] : memref<4x16x1024xf32, #tpu.memory_space<vmem>> -> memref<1x16x1024xf32, #tpu.memory_space<vmem>>
      %dma_start3A_84 = tpu.memref_squeeze %dma_start3A_83 : memref<1x16x1024xf32, #tpu.memory_space<vmem>> -> memref<16x1024xf32, #tpu.memory_space<vmem>>
      %dma_start3A_85 = arith.constant 0 : i32
      %dma_start3A_86 = tpu.memref_slice %arg4[%add3A_79, %dma_start3A_85] : memref<8192x1024xf32, #tpu.memory_space<hbm>> -> memref<16x1024xf32, #tpu.memory_space<hbm>>
      %dma_start3A_87 = arith.constant 0 : i32
      %dma_start3A_88 = tpu.memref_slice %arg4[%add3A_79, %dma_start3A_87] : memref<8192x1024xf32, #tpu.memory_space<hbm>> -> memref<16x1024xf32, #tpu.memory_space<hbm>>
      %dma_start3A_89 = arith.constant 0 : i32
      %dma_start3A_90 = arith.constant 0 : i32
      %dma_start3A_91 = tpu.memref_slice %arg6[%dma_start3A_80, %dma_start3A_89, %dma_start3A_90] : memref<4x16x1024xf32, #tpu.memory_space<vmem>> -> memref<1x16x1024xf32, #tpu.memory_space<vmem>>
      %dma_start3A_92 = tpu.memref_squeeze %dma_start3A_91 : memref<1x16x1024xf32, #tpu.memory_space<vmem>> -> memref<16x1024xf32, #tpu.memory_space<vmem>>
      tpu.enqueue_dma source(%dma_start3A_92 : memref<16x1024xf32, #tpu.memory_space<vmem>>) target(%dma_start3A_88 : memref<16x1024xf32, #tpu.memory_space<hbm>>) target_semaphore(%arg11 : memref<!tpu.dma_semaphore, #tpu.memory_space<semaphore_mem>>)
      %add3A_93 = arith.constant 2048 : i32
      %add3A_94 = arith.addi %add3A_93, %add3A_11 : i32
      %add3A_95 = arith.constant 16 : i32
      %add3A_96 = arith.addi %add3A_94, %add3A_95 : i32
      %dma_start3A_97 = arith.constant 3 : i32
      %dma_start3A_98 = arith.constant 0 : i32
      %dma_start3A_99 = arith.constant 0 : i32
      %dma_start3A_100 = tpu.memref_slice %arg6[%dma_start3A_97, %dma_start3A_98, %dma_start3A_99] : memref<4x16x1024xf32, #tpu.memory_space<vmem>> -> memref<1x16x1024xf32, #tpu.memory_space<vmem>>
      %dma_start3A_101 = tpu.memref_squeeze %dma_start3A_100 : memref<1x16x1024xf32, #tpu.memory_space<vmem>> -> memref<16x1024xf32, #tpu.memory_space<vmem>>
      %dma_start3A_102 = arith.constant 0 : i32
      %dma_start3A_103 = tpu.memref_slice %arg2[%add3A_96, %dma_start3A_102] : memref<8192x1024xf32, #tpu.memory_space<hbm>> -> memref<16x1024xf32, #tpu.memory_space<hbm>>
      %dma_start3A_104 = arith.constant 0 : i32
      %dma_start3A_105 = arith.constant 0 : i32
      %dma_start3A_106 = tpu.memref_slice %arg6[%dma_start3A_97, %dma_start3A_104, %dma_start3A_105] : memref<4x16x1024xf32, #tpu.memory_space<vmem>> -> memref<1x16x1024xf32, #tpu.memory_space<vmem>>
      %dma_start3A_107 = tpu.memref_squeeze %dma_start3A_106 : memref<1x16x1024xf32, #tpu.memory_space<vmem>> -> memref<16x1024xf32, #tpu.memory_space<vmem>>
      %dma_start3A_108 = arith.constant 0 : i32
      %dma_start3A_109 = tpu.memref_slice %arg2[%add3A_96, %dma_start3A_108] : memref<8192x1024xf32, #tpu.memory_space<hbm>> -> memref<16x1024xf32, #tpu.memory_space<hbm>>
      tpu.enqueue_dma source(%dma_start3A_109 : memref<16x1024xf32, #tpu.memory_space<hbm>>) target(%dma_start3A_107 : memref<16x1024xf32, #tpu.memory_space<vmem>>) target_semaphore(%arg10 : memref<!tpu.dma_semaphore, #tpu.memory_space<semaphore_mem>>)
      %dma_wait3A_110 = arith.constant 1 : i32
      %dma_wait3A_111 = arith.constant 0 : i32
      %dma_wait3A_112 = arith.constant 0 : i32
      %dma_wait3A_113 = tpu.memref_slice %arg6[%dma_wait3A_110, %dma_wait3A_111, %dma_wait3A_112] : memref<4x16x1024xf32, #tpu.memory_space<vmem>> -> memref<1x16x1024xf32, #tpu.memory_space<vmem>>
      %dma_wait3A_114 = tpu.memref_squeeze %dma_wait3A_113 : memref<1x16x1024xf32, #tpu.memory_space<vmem>> -> memref<16x1024xf32, #tpu.memory_space<vmem>>
      %dma_wait3A_115 = arith.constant 0 : i32
      %dma_wait3A_116 = tpu.memref_slice %arg2[%add3A_31, %dma_wait3A_115] : memref<8192x1024xf32, #tpu.memory_space<hbm>> -> memref<16x1024xf32, #tpu.memory_space<hbm>>
      %dma_wait3A_117 = arith.constant 0 : i32
      %dma_wait3A_118 = arith.constant 0 : i32
      %dma_wait3A_119 = tpu.memref_slice %arg6[%dma_wait3A_110, %dma_wait3A_117, %dma_wait3A_118] : memref<4x16x1024xf32, #tpu.memory_space<vmem>> -> memref<1x16x1024xf32, #tpu.memory_space<vmem>>
      %dma_wait3A_120 = tpu.memref_squeeze %dma_wait3A_119 : memref<1x16x1024xf32, #tpu.memory_space<vmem>> -> memref<16x1024xf32, #tpu.memory_space<vmem>>
      %dma_wait3A_121 = arith.constant 0 : i32
      %dma_wait3A_122 = tpu.memref_slice %arg2[%add3A_31, %dma_wait3A_121] : memref<8192x1024xf32, #tpu.memory_space<hbm>> -> memref<16x1024xf32, #tpu.memory_space<hbm>>
      tpu.wait_dma2 semaphore(%arg8 : memref<!tpu.dma_semaphore, #tpu.memory_space<semaphore_mem>>) src(%dma_wait3A_122 : memref<16x1024xf32, #tpu.memory_space<hbm>>) dst(%dma_wait3A_120 : memref<16x1024xf32, #tpu.memory_space<vmem>>)
      %parallel_loop3A_123 = arith.constant 0 : i32
      %parallel_loop3A_124 = arith.constant 1024 : i32
      %parallel_loop3A_125 = arith.constant 1 : i32
      scf.for %parallel_loop3A_513 = %parallel_loop3A_123 to %parallel_loop3A_124 step %parallel_loop3A_125  : i32 {
        %parallel_loop3A_514 = arith.constant 6 : i32
        %parallel_loop3A_515 = arith.shrsi %parallel_loop3A_513, %parallel_loop3A_514 : i32
        %parallel_loop3A_516 = arith.constant 63 : i32
        %parallel_loop3A_517 = arith.andi %parallel_loop3A_513, %parallel_loop3A_516 : i32
        %parallel_loop3A_518 = arith.constant 16 : i32
        %parallel_loop3A_519 = arith.muli %parallel_loop3A_517, %parallel_loop3A_518 : i32
        %parallel_loop3A_520 = arith.constant 16 : i32
        %parallel_loop3A_521 = arith.addi %parallel_loop3A_520, %parallel_loop3A_515 : i32
        %parallel_loop3A_522 = arith.index_cast %parallel_loop3A_521 : i32 to index
        %parallel_loop3A_523 = arith.index_cast %parallel_loop3A_519 : i32 to index
        %parallel_loop3A_524 = tpu.vector_load %arg5[%parallel_loop3A_522, %parallel_loop3A_523] {strides = array<i32>} : memref<32x1024xf32, #tpu.memory_space<vmem>>, vector<1x16xf32>,
        %parallel_loop3A_525 = vector.shape_cast %parallel_loop3A_524 : vector<1x16xf32> to vector<16xf32>
        %parallel_loop3A_526 = arith.constant 1 : i32
        %parallel_loop3A_527 = arith.index_cast %parallel_loop3A_526 : i32 to index
        %parallel_loop3A_528 = arith.index_cast %parallel_loop3A_515 : i32 to index
        %parallel_loop3A_529 = arith.index_cast %parallel_loop3A_519 : i32 to index
        %parallel_loop3A_530 = tpu.vector_load %arg6[%parallel_loop3A_527, %parallel_loop3A_528, %parallel_loop3A_529] {strides = array<i32>} : memref<4x16x1024xf32, #tpu.memory_space<vmem>>, vector<1x1x16xf32>,
        %parallel_loop3A_531 = vector.shape_cast %parallel_loop3A_530 : vector<1x1x16xf32> to vector<16xf32>
        %parallel_loop3A_532 = vector.shape_cast %parallel_loop3A_525 : vector<16xf32> to vector<1x1x16xf32>
        tpu.vector_store %arg6[%parallel_loop3A_527, %parallel_loop3A_528, %parallel_loop3A_529], %parallel_loop3A_532 {add = true, strides = array<i32>} : memref<4x16x1024xf32, #tpu.memory_space<vmem>>, vector<1x1x16xf32>,
      } {sc.loop_unroll_factor = 8 : i64, sc.parallel_access}
      %add3A_126 = arith.constant 0 : i32
      %add3A_127 = arith.addi %add3A_126, %add3A_11 : i32
      %add3A_128 = arith.constant 16 : i32
      %add3A_129 = arith.addi %add3A_127, %add3A_128 : i32
      %dma_start3A_130 = arith.constant 1 : i32
      %dma_start3A_131 = arith.constant 0 : i32
      %dma_start3A_132 = arith.constant 0 : i32
      %dma_start3A_133 = tpu.memref_slice %arg6[%dma_start3A_130, %dma_start3A_131, %dma_start3A_132] : memref<4x16x1024xf32, #tpu.memory_space<vmem>> -> memref<1x16x1024xf32, #tpu.memory_space<vmem>>
      %dma_start3A_134 = tpu.memref_squeeze %dma_start3A_133 : memref<1x16x1024xf32, #tpu.memory_space<vmem>> -> memref<16x1024xf32, #tpu.memory_space<vmem>>
      %dma_start3A_135 = arith.constant 0 : i32
      %dma_start3A_136 = tpu.memref_slice %arg4[%add3A_129, %dma_start3A_135] : memref<8192x1024xf32, #tpu.memory_space<hbm>> -> memref<16x1024xf32, #tpu.memory_space<hbm>>
      %dma_start3A_137 = arith.constant 0 : i32
      %dma_start3A_138 = tpu.memref_slice %arg4[%add3A_129, %dma_start3A_137] : memref<8192x1024xf32, #tpu.memory_space<hbm>> -> memref<16x1024xf32, #tpu.memory_space<hbm>>
      %dma_start3A_139 = arith.constant 0 : i32
      %dma_start3A_140 = arith.constant 0 : i32
      %dma_start3A_141 = tpu.memref_slice %arg6[%dma_start3A_130, %dma_start3A_139, %dma_start3A_140] : memref<4x16x1024xf32, #tpu.memory_space<vmem>> -> memref<1x16x1024xf32, #tpu.memory_space<vmem>>
      %dma_start3A_142 = tpu.memref_squeeze %dma_start3A_141 : memref<1x16x1024xf32, #tpu.memory_space<vmem>> -> memref<16x1024xf32, #tpu.memory_space<vmem>>
      tpu.enqueue_dma source(%dma_start3A_142 : memref<16x1024xf32, #tpu.memory_space<vmem>>) target(%dma_start3A_138 : memref<16x1024xf32, #tpu.memory_space<hbm>>) target_semaphore(%arg12 : memref<!tpu.dma_semaphore, #tpu.memory_space<semaphore_mem>>)
      %dma_wait3A_143 = arith.constant 0 : i32
      %dma_wait3A_144 = arith.constant 0 : i32
      %dma_wait3A_145 = arith.constant 0 : i32
      %dma_wait3A_146 = tpu.memref_slice %arg6[%dma_wait3A_143, %dma_wait3A_144, %dma_wait3A_145] : memref<4x16x1024xf32, #tpu.memory_space<vmem>> -> memref<1x16x1024xf32, #tpu.memory_space<vmem>>
      %dma_wait3A_147 = tpu.memref_squeeze %dma_wait3A_146 : memref<1x16x1024xf32, #tpu.memory_space<vmem>> -> memref<16x1024xf32, #tpu.memory_space<vmem>>
      %dma_wait3A_148 = arith.constant 0 : i32
      %dma_wait3A_149 = tpu.memref_slice %arg4[%add3A_79, %dma_wait3A_148] : memref<8192x1024xf32, #tpu.memory_space<hbm>> -> memref<16x1024xf32, #tpu.memory_space<hbm>>
      %dma_wait3A_150 = arith.constant 0 : i32
      %dma_wait3A_151 = tpu.memref_slice %arg4[%add3A_79, %dma_wait3A_150] : memref<8192x1024xf32, #tpu.memory_space<hbm>> -> memref<16x1024xf32, #tpu.memory_space<hbm>>
      %dma_wait3A_152 = arith.constant 0 : i32
      %dma_wait3A_153 = arith.constant 0 : i32
      %dma_wait3A_154 = tpu.memref_slice %arg6[%dma_wait3A_143, %dma_wait3A_152, %dma_wait3A_153] : memref<4x16x1024xf32, #tpu.memory_space<vmem>> -> memref<1x16x1024xf32, #tpu.memory_space<vmem>>
      %dma_wait3A_155 = tpu.memref_squeeze %dma_wait3A_154 : memref<1x16x1024xf32, #tpu.memory_space<vmem>> -> memref<16x1024xf32, #tpu.memory_space<vmem>>
      tpu.wait_dma2 semaphore(%arg11 : memref<!tpu.dma_semaphore, #tpu.memory_space<semaphore_mem>>) src(%dma_wait3A_155 : memref<16x1024xf32, #tpu.memory_space<vmem>>) dst(%dma_wait3A_151 : memref<16x1024xf32, #tpu.memory_space<hbm>>)
      %add3A_156 = arith.constant 4096 : i32
      %add3A_157 = arith.addi %add3A_156, %add3A_11 : i32
      %add3A_158 = arith.constant 0 : i32
      %add3A_159 = arith.addi %add3A_157, %add3A_158 : i32
      %dma_start3A_160 = arith.constant 0 : i32
      %dma_start3A_161 = arith.constant 0 : i32
      %dma_start3A_162 = arith.constant 0 : i32
      %dma_start3A_163 = tpu.memref_slice %arg6[%dma_start3A_160, %dma_start3A_161, %dma_start3A_162] : memref<4x16x1024xf32, #tpu.memory_space<vmem>> -> memref<1x16x1024xf32, #tpu.memory_space<vmem>>
      %dma_start3A_164 = tpu.memref_squeeze %dma_start3A_163 : memref<1x16x1024xf32, #tpu.memory_space<vmem>> -> memref<16x1024xf32, #tpu.memory_space<vmem>>
      %dma_start3A_165 = arith.constant 0 : i32
      %dma_start3A_166 = tpu.memref_slice %arg2[%add3A_159, %dma_start3A_165] : memref<8192x1024xf32, #tpu.memory_space<hbm>> -> memref<16x1024xf32, #tpu.memory_space<hbm>>
      %dma_start3A_167 = arith.constant 0 : i32
      %dma_start3A_168 = arith.constant 0 : i32
      %dma_start3A_169 = tpu.memref_slice %arg6[%dma_start3A_160, %dma_start3A_167, %dma_start3A_168] : memref<4x16x1024xf32, #tpu.memory_space<vmem>> -> memref<1x16x1024xf32, #tpu.memory_space<vmem>>
      %dma_start3A_170 = tpu.memref_squeeze %dma_start3A_169 : memref<1x16x1024xf32, #tpu.memory_space<vmem>> -> memref<16x1024xf32, #tpu.memory_space<vmem>>
      %dma_start3A_171 = arith.constant 0 : i32
      %dma_start3A_172 = tpu.memref_slice %arg2[%add3A_159, %dma_start3A_171] : memref<8192x1024xf32, #tpu.memory_space<hbm>> -> memref<16x1024xf32, #tpu.memory_space<hbm>>
      tpu.enqueue_dma source(%dma_start3A_172 : memref<16x1024xf32, #tpu.memory_space<hbm>>) target(%dma_start3A_170 : memref<16x1024xf32, #tpu.memory_space<vmem>>) target_semaphore(%arg7 : memref<!tpu.dma_semaphore, #tpu.memory_space<semaphore_mem>>)
      %dma_wait3A_173 = arith.constant 2 : i32
      %dma_wait3A_174 = arith.constant 0 : i32
      %dma_wait3A_175 = arith.constant 0 : i32
      %dma_wait3A_176 = tpu.memref_slice %arg6[%dma_wait3A_173, %dma_wait3A_174, %dma_wait3A_175] : memref<4x16x1024xf32, #tpu.memory_space<vmem>> -> memref<1x16x1024xf32, #tpu.memory_space<vmem>>
      %dma_wait3A_177 = tpu.memref_squeeze %dma_wait3A_176 : memref<1x16x1024xf32, #tpu.memory_space<vmem>> -> memref<16x1024xf32, #tpu.memory_space<vmem>>
      %dma_wait3A_178 = arith.constant 0 : i32
      %dma_wait3A_179 = tpu.memref_slice %arg2[%add3A_48, %dma_wait3A_178] : memref<8192x1024xf32, #tpu.memory_space<hbm>> -> memref<16x1024xf32, #tpu.memory_space<hbm>>
      %dma_wait3A_180 = arith.constant 0 : i32
      %dma_wait3A_181 = arith.constant 0 : i32
      %dma_wait3A_182 = tpu.memref_slice %arg6[%dma_wait3A_173, %dma_wait3A_180, %dma_wait3A_181] : memref<4x16x1024xf32, #tpu.memory_space<vmem>> -> memref<1x16x1024xf32, #tpu.memory_space<vmem>>
      %dma_wait3A_183 = tpu.memref_squeeze %dma_wait3A_182 : memref<1x16x1024xf32, #tpu.memory_space<vmem>> -> memref<16x1024xf32, #tpu.memory_space<vmem>>
      %dma_wait3A_184 = arith.constant 0 : i32
      %dma_wait3A_185 = tpu.memref_slice %arg2[%add3A_48, %dma_wait3A_184] : memref<8192x1024xf32, #tpu.memory_space<hbm>> -> memref<16x1024xf32, #tpu.memory_space<hbm>>
      tpu.wait_dma2 semaphore(%arg9 : memref<!tpu.dma_semaphore, #tpu.memory_space<semaphore_mem>>) src(%dma_wait3A_185 : memref<16x1024xf32, #tpu.memory_space<hbm>>) dst(%dma_wait3A_183 : memref<16x1024xf32, #tpu.memory_space<vmem>>)
      %parallel_loop3A_186 = arith.constant 0 : i32
      %parallel_loop3A_187 = arith.constant 1024 : i32
      %parallel_loop3A_188 = arith.constant 1 : i32
      scf.for %parallel_loop3A_513 = %parallel_loop3A_186 to %parallel_loop3A_187 step %parallel_loop3A_188  : i32 {
        %parallel_loop3A_514 = arith.constant 6 : i32
        %parallel_loop3A_515 = arith.shrsi %parallel_loop3A_513, %parallel_loop3A_514 : i32
        %parallel_loop3A_516 = arith.constant 63 : i32
        %parallel_loop3A_517 = arith.andi %parallel_loop3A_513, %parallel_loop3A_516 : i32
        %parallel_loop3A_518 = arith.constant 16 : i32
        %parallel_loop3A_519 = arith.muli %parallel_loop3A_517, %parallel_loop3A_518 : i32
        %parallel_loop3A_520 = arith.constant 0 : i32
        %parallel_loop3A_521 = arith.addi %parallel_loop3A_520, %parallel_loop3A_515 : i32
        %parallel_loop3A_522 = arith.index_cast %parallel_loop3A_521 : i32 to index
        %parallel_loop3A_523 = arith.index_cast %parallel_loop3A_519 : i32 to index
        %parallel_loop3A_524 = tpu.vector_load %arg5[%parallel_loop3A_522, %parallel_loop3A_523] {strides = array<i32>} : memref<32x1024xf32, #tpu.memory_space<vmem>>, vector<1x16xf32>,
        %parallel_loop3A_525 = vector.shape_cast %parallel_loop3A_524 : vector<1x16xf32> to vector<16xf32>
        %parallel_loop3A_526 = arith.constant 2 : i32
        %parallel_loop3A_527 = arith.index_cast %parallel_loop3A_526 : i32 to index
        %parallel_loop3A_528 = arith.index_cast %parallel_loop3A_515 : i32 to index
        %parallel_loop3A_529 = arith.index_cast %parallel_loop3A_519 : i32 to index
        %parallel_loop3A_530 = tpu.vector_load %arg6[%parallel_loop3A_527, %parallel_loop3A_528, %parallel_loop3A_529] {strides = array<i32>} : memref<4x16x1024xf32, #tpu.memory_space<vmem>>, vector<1x1x16xf32>,
        %parallel_loop3A_531 = vector.shape_cast %parallel_loop3A_530 : vector<1x1x16xf32> to vector<16xf32>
        %parallel_loop3A_532 = vector.shape_cast %parallel_loop3A_525 : vector<16xf32> to vector<1x1x16xf32>
        tpu.vector_store %arg6[%parallel_loop3A_527, %parallel_loop3A_528, %parallel_loop3A_529], %parallel_loop3A_532 {add = true, strides = array<i32>} : memref<4x16x1024xf32, #tpu.memory_space<vmem>>, vector<1x1x16xf32>,
      } {sc.loop_unroll_factor = 8 : i64, sc.parallel_access}
      %add3A_189 = arith.constant 2048 : i32
      %add3A_190 = arith.addi %add3A_189, %add3A_11 : i32
      %add3A_191 = arith.constant 0 : i32
      %add3A_192 = arith.addi %add3A_190, %add3A_191 : i32
      %dma_start3A_193 = arith.constant 2 : i32
      %dma_start3A_194 = arith.constant 0 : i32
      %dma_start3A_195 = arith.constant 0 : i32
      %dma_start3A_196 = tpu.memref_slice %arg6[%dma_start3A_193, %dma_start3A_194, %dma_start3A_195] : memref<4x16x1024xf32, #tpu.memory_space<vmem>> -> memref<1x16x1024xf32, #tpu.memory_space<vmem>>
      %dma_start3A_197 = tpu.memref_squeeze %dma_start3A_196 : memref<1x16x1024xf32, #tpu.memory_space<vmem>> -> memref<16x1024xf32, #tpu.memory_space<vmem>>
      %dma_start3A_198 = arith.constant 0 : i32
      %dma_start3A_199 = tpu.memref_slice %arg4[%add3A_192, %dma_start3A_198] : memref<8192x1024xf32, #tpu.memory_space<hbm>> -> memref<16x1024xf32, #tpu.memory_space<hbm>>
      %dma_start3A_200 = arith.constant 0 : i32
      %dma_start3A_201 = tpu.memref_slice %arg4[%add3A_192, %dma_start3A_200] : memref<8192x1024xf32, #tpu.memory_space<hbm>> -> memref<16x1024xf32, #tpu.memory_space<hbm>>
      %dma_start3A_202 = arith.constant 0 : i32
      %dma_start3A_203 = arith.constant 0 : i32
      %dma_start3A_204 = tpu.memref_slice %arg6[%dma_start3A_193, %dma_start3A_202, %dma_start3A_203] : memref<4x16x1024xf32, #tpu.memory_space<vmem>> -> memref<1x16x1024xf32, #tpu.memory_space<vmem>>
      %dma_start3A_205 = tpu.memref_squeeze %dma_start3A_204 : memref<1x16x1024xf32, #tpu.memory_space<vmem>> -> memref<16x1024xf32, #tpu.memory_space<vmem>>
      tpu.enqueue_dma source(%dma_start3A_205 : memref<16x1024xf32, #tpu.memory_space<vmem>>) target(%dma_start3A_201 : memref<16x1024xf32, #tpu.memory_space<hbm>>) target_semaphore(%arg13 : memref<!tpu.dma_semaphore, #tpu.memory_space<semaphore_mem>>)
      %dma_wait3A_206 = arith.constant 1 : i32
      %dma_wait3A_207 = arith.constant 0 : i32
      %dma_wait3A_208 = arith.constant 0 : i32
      %dma_wait3A_209 = tpu.memref_slice %arg6[%dma_wait3A_206, %dma_wait3A_207, %dma_wait3A_208] : memref<4x16x1024xf32, #tpu.memory_space<vmem>> -> memref<1x16x1024xf32, #tpu.memory_space<vmem>>
      %dma_wait3A_210 = tpu.memref_squeeze %dma_wait3A_209 : memref<1x16x1024xf32, #tpu.memory_space<vmem>> -> memref<16x1024xf32, #tpu.memory_space<vmem>>
      %dma_wait3A_211 = arith.constant 0 : i32
      %dma_wait3A_212 = tpu.memref_slice %arg4[%add3A_129, %dma_wait3A_211] : memref<8192x1024xf32, #tpu.memory_space<hbm>> -> memref<16x1024xf32, #tpu.memory_space<hbm>>
      %dma_wait3A_213 = arith.constant 0 : i32
      %dma_wait3A_214 = tpu.memref_slice %arg4[%add3A_129, %dma_wait3A_213] : memref<8192x1024xf32, #tpu.memory_space<hbm>> -> memref<16x1024xf32, #tpu.memory_space<hbm>>
      %dma_wait3A_215 = arith.constant 0 : i32
      %dma_wait3A_216 = arith.constant 0 : i32
      %dma_wait3A_217 = tpu.memref_slice %arg6[%dma_wait3A_206, %dma_wait3A_215, %dma_wait3A_216] : memref<4x16x1024xf32, #tpu.memory_space<vmem>> -> memref<1x16x1024xf32, #tpu.memory_space<vmem>>
      %dma_wait3A_218 = tpu.memref_squeeze %dma_wait3A_217 : memref<1x16x1024xf32, #tpu.memory_space<vmem>> -> memref<16x1024xf32, #tpu.memory_space<vmem>>
      tpu.wait_dma2 semaphore(%arg12 : memref<!tpu.dma_semaphore, #tpu.memory_space<semaphore_mem>>) src(%dma_wait3A_218 : memref<16x1024xf32, #tpu.memory_space<vmem>>) dst(%dma_wait3A_214 : memref<16x1024xf32, #tpu.memory_space<hbm>>)
      %add3A_219 = arith.constant 4096 : i32
      %add3A_220 = arith.addi %add3A_219, %add3A_11 : i32
      %add3A_221 = arith.constant 16 : i32
      %add3A_222 = arith.addi %add3A_220, %add3A_221 : i32
      %dma_start3A_223 = arith.constant 1 : i32
      %dma_start3A_224 = arith.constant 0 : i32
      %dma_start3A_225 = arith.constant 0 : i32
      %dma_start3A_226 = tpu.memref_slice %arg6[%dma_start3A_223, %dma_start3A_224, %dma_start3A_225] : memref<4x16x1024xf32, #tpu.memory_space<vmem>> -> memref<1x16x1024xf32, #tpu.memory_space<vmem>>
      %dma_start3A_227 = tpu.memref_squeeze %dma_start3A_226 : memref<1x16x1024xf32, #tpu.memory_space<vmem>> -> memref<16x1024xf32, #tpu.memory_space<vmem>>
      %dma_start3A_228 = arith.constant 0 : i32
      %dma_start3A_229 = tpu.memref_slice %arg2[%add3A_222, %dma_start3A_228] : memref<8192x1024xf32, #tpu.memory_space<hbm>> -> memref<16x1024xf32, #tpu.memory_space<hbm>>
      %dma_start3A_230 = arith.constant 0 : i32
      %dma_start3A_231 = arith.constant 0 : i32
      %dma_start3A_232 = tpu.memref_slice %arg6[%dma_start3A_223, %dma_start3A_230, %dma_start3A_231] : memref<4x16x1024xf32, #tpu.memory_space<vmem>> -> memref<1x16x1024xf32, #tpu.memory_space<vmem>>
      %dma_start3A_233 = tpu.memref_squeeze %dma_start3A_232 : memref<1x16x1024xf32, #tpu.memory_space<vmem>> -> memref<16x1024xf32, #tpu.memory_space<vmem>>
      %dma_start3A_234 = arith.constant 0 : i32
      %dma_start3A_235 = tpu.memref_slice %arg2[%add3A_222, %dma_start3A_234] : memref<8192x1024xf32, #tpu.memory_space<hbm>> -> memref<16x1024xf32, #tpu.memory_space<hbm>>
      tpu.enqueue_dma source(%dma_start3A_235 : memref<16x1024xf32, #tpu.memory_space<hbm>>) target(%dma_start3A_233 : memref<16x1024xf32, #tpu.memory_space<vmem>>) target_semaphore(%arg8 : memref<!tpu.dma_semaphore, #tpu.memory_space<semaphore_mem>>)
      %dma_wait3A_236 = arith.constant 3 : i32
      %dma_wait3A_237 = arith.constant 0 : i32
      %dma_wait3A_238 = arith.constant 0 : i32
      %dma_wait3A_239 = tpu.memref_slice %arg6[%dma_wait3A_236, %dma_wait3A_237, %dma_wait3A_238] : memref<4x16x1024xf32, #tpu.memory_space<vmem>> -> memref<1x16x1024xf32, #tpu.memory_space<vmem>>
      %dma_wait3A_240 = tpu.memref_squeeze %dma_wait3A_239 : memref<1x16x1024xf32, #tpu.memory_space<vmem>> -> memref<16x1024xf32, #tpu.memory_space<vmem>>
      %dma_wait3A_241 = arith.constant 0 : i32
      %dma_wait3A_242 = tpu.memref_slice %arg2[%add3A_96, %dma_wait3A_241] : memref<8192x1024xf32, #tpu.memory_space<hbm>> -> memref<16x1024xf32, #tpu.memory_space<hbm>>
      %dma_wait3A_243 = arith.constant 0 : i32
      %dma_wait3A_244 = arith.constant 0 : i32
      %dma_wait3A_245 = tpu.memref_slice %arg6[%dma_wait3A_236, %dma_wait3A_243, %dma_wait3A_244] : memref<4x16x1024xf32, #tpu.memory_space<vmem>> -> memref<1x16x1024xf32, #tpu.memory_space<vmem>>
      %dma_wait3A_246 = tpu.memref_squeeze %dma_wait3A_245 : memref<1x16x1024xf32, #tpu.memory_space<vmem>> -> memref<16x1024xf32, #tpu.memory_space<vmem>>
      %dma_wait3A_247 = arith.constant 0 : i32
      %dma_wait3A_248 = tpu.memref_slice %arg2[%add3A_96, %dma_wait3A_247] : memref<8192x1024xf32, #tpu.memory_space<hbm>> -> memref<16x1024xf32, #tpu.memory_space<hbm>>
      tpu.wait_dma2 semaphore(%arg10 : memref<!tpu.dma_semaphore, #tpu.memory_space<semaphore_mem>>) src(%dma_wait3A_248 : memref<16x1024xf32, #tpu.memory_space<hbm>>) dst(%dma_wait3A_246 : memref<16x1024xf32, #tpu.memory_space<vmem>>)
      %parallel_loop3A_249 = arith.constant 0 : i32
      %parallel_loop3A_250 = arith.constant 1024 : i32
      %parallel_loop3A_251 = arith.constant 1 : i32
      scf.for %parallel_loop3A_513 = %parallel_loop3A_249 to %parallel_loop3A_250 step %parallel_loop3A_251  : i32 {
        %parallel_loop3A_514 = arith.constant 6 : i32
        %parallel_loop3A_515 = arith.shrsi %parallel_loop3A_513, %parallel_loop3A_514 : i32
        %parallel_loop3A_516 = arith.constant 63 : i32
        %parallel_loop3A_517 = arith.andi %parallel_loop3A_513, %parallel_loop3A_516 : i32
        %parallel_loop3A_518 = arith.constant 16 : i32
        %parallel_loop3A_519 = arith.muli %parallel_loop3A_517, %parallel_loop3A_518 : i32
        %parallel_loop3A_520 = arith.constant 16 : i32
        %parallel_loop3A_521 = arith.addi %parallel_loop3A_520, %parallel_loop3A_515 : i32
        %parallel_loop3A_522 = arith.index_cast %parallel_loop3A_521 : i32 to index
        %parallel_loop3A_523 = arith.index_cast %parallel_loop3A_519 : i32 to index
        %parallel_loop3A_524 = tpu.vector_load %arg5[%parallel_loop3A_522, %parallel_loop3A_523] {strides = array<i32>} : memref<32x1024xf32, #tpu.memory_space<vmem>>, vector<1x16xf32>,
        %parallel_loop3A_525 = vector.shape_cast %parallel_loop3A_524 : vector<1x16xf32> to vector<16xf32>
        %parallel_loop3A_526 = arith.constant 3 : i32
        %parallel_loop3A_527 = arith.index_cast %parallel_loop3A_526 : i32 to index
        %parallel_loop3A_528 = arith.index_cast %parallel_loop3A_515 : i32 to index
        %parallel_loop3A_529 = arith.index_cast %parallel_loop3A_519 : i32 to index
        %parallel_loop3A_530 = tpu.vector_load %arg6[%parallel_loop3A_527, %parallel_loop3A_528, %parallel_loop3A_529] {strides = array<i32>} : memref<4x16x1024xf32, #tpu.memory_space<vmem>>, vector<1x1x16xf32>,
        %parallel_loop3A_531 = vector.shape_cast %parallel_loop3A_530 : vector<1x1x16xf32> to vector<16xf32>
        %parallel_loop3A_532 = vector.shape_cast %parallel_loop3A_525 : vector<16xf32> to vector<1x1x16xf32>
        tpu.vector_store %arg6[%parallel_loop3A_527, %parallel_loop3A_528, %parallel_loop3A_529], %parallel_loop3A_532 {add = true, strides = array<i32>} : memref<4x16x1024xf32, #tpu.memory_space<vmem>>, vector<1x1x16xf32>,
      } {sc.loop_unroll_factor = 8 : i64, sc.parallel_access}
      %add3A_252 = arith.constant 2048 : i32
      %add3A_253 = arith.addi %add3A_252, %add3A_11 : i32
      %add3A_254 = arith.constant 16 : i32
      %add3A_255 = arith.addi %add3A_253, %add3A_254 : i32
      %dma_start3A_256 = arith.constant 3 : i32
      %dma_start3A_257 = arith.constant 0 : i32
      %dma_start3A_258 = arith.constant 0 : i32
      %dma_start3A_259 = tpu.memref_slice %arg6[%dma_start3A_256, %dma_start3A_257, %dma_start3A_258] : memref<4x16x1024xf32, #tpu.memory_space<vmem>> -> memref<1x16x1024xf32, #tpu.memory_space<vmem>>
      %dma_start3A_260 = tpu.memref_squeeze %dma_start3A_259 : memref<1x16x1024xf32, #tpu.memory_space<vmem>> -> memref<16x1024xf32, #tpu.memory_space<vmem>>
      %dma_start3A_261 = arith.constant 0 : i32
      %dma_start3A_262 = tpu.memref_slice %arg4[%add3A_255, %dma_start3A_261] : memref<8192x1024xf32, #tpu.memory_space<hbm>> -> memref<16x1024xf32, #tpu.memory_space<hbm>>
      %dma_start3A_263 = arith.constant 0 : i32
      %dma_start3A_264 = tpu.memref_slice %arg4[%add3A_255, %dma_start3A_263] : memref<8192x1024xf32, #tpu.memory_space<hbm>> -> memref<16x1024xf32, #tpu.memory_space<hbm>>
      %dma_start3A_265 = arith.constant 0 : i32
      %dma_start3A_266 = arith.constant 0 : i32
      %dma_start3A_267 = tpu.memref_slice %arg6[%dma_start3A_256, %dma_start3A_265, %dma_start3A_266] : memref<4x16x1024xf32, #tpu.memory_space<vmem>> -> memref<1x16x1024xf32, #tpu.memory_space<vmem>>
      %dma_start3A_268 = tpu.memref_squeeze %dma_start3A_267 : memref<1x16x1024xf32, #tpu.memory_space<vmem>> -> memref<16x1024xf32, #tpu.memory_space<vmem>>
      tpu.enqueue_dma source(%dma_start3A_268 : memref<16x1024xf32, #tpu.memory_space<vmem>>) target(%dma_start3A_264 : memref<16x1024xf32, #tpu.memory_space<hbm>>) target_semaphore(%arg14 : memref<!tpu.dma_semaphore, #tpu.memory_space<semaphore_mem>>)
      %dma_wait3A_269 = arith.constant 2 : i32
      %dma_wait3A_270 = arith.constant 0 : i32
      %dma_wait3A_271 = arith.constant 0 : i32
      %dma_wait3A_272 = tpu.memref_slice %arg6[%dma_wait3A_269, %dma_wait3A_270, %dma_wait3A_271] : memref<4x16x1024xf32, #tpu.memory_space<vmem>> -> memref<1x16x1024xf32, #tpu.memory_space<vmem>>
      %dma_wait3A_273 = tpu.memref_squeeze %dma_wait3A_272 : memref<1x16x1024xf32, #tpu.memory_space<vmem>> -> memref<16x1024xf32, #tpu.memory_space<vmem>>
      %dma_wait3A_274 = arith.constant 0 : i32
      %dma_wait3A_275 = tpu.memref_slice %arg4[%add3A_192, %dma_wait3A_274] : memref<8192x1024xf32, #tpu.memory_space<hbm>> -> memref<16x1024xf32, #tpu.memory_space<hbm>>
      %dma_wait3A_276 = arith.constant 0 : i32
      %dma_wait3A_277 = tpu.memref_slice %arg4[%add3A_192, %dma_wait3A_276] : memref<8192x1024xf32, #tpu.memory_space<hbm>> -> memref<16x1024xf32, #tpu.memory_space<hbm>>
      %dma_wait3A_278 = arith.constant 0 : i32
      %dma_wait3A_279 = arith.constant 0 : i32
      %dma_wait3A_280 = tpu.memref_slice %arg6[%dma_wait3A_269, %dma_wait3A_278, %dma_wait3A_279] : memref<4x16x1024xf32, #tpu.memory_space<vmem>> -> memref<1x16x1024xf32, #tpu.memory_space<vmem>>
      %dma_wait3A_281 = tpu.memref_squeeze %dma_wait3A_280 : memref<1x16x1024xf32, #tpu.memory_space<vmem>> -> memref<16x1024xf32, #tpu.memory_space<vmem>>
      tpu.wait_dma2 semaphore(%arg13 : memref<!tpu.dma_semaphore, #tpu.memory_space<semaphore_mem>>) src(%dma_wait3A_281 : memref<16x1024xf32, #tpu.memory_space<vmem>>) dst(%dma_wait3A_277 : memref<16x1024xf32, #tpu.memory_space<hbm>>)
      %add3A_282 = arith.constant 6144 : i32
      %add3A_283 = arith.addi %add3A_282, %add3A_11 : i32
      %add3A_284 = arith.constant 0 : i32
      %add3A_285 = arith.addi %add3A_283, %add3A_284 : i32
      %dma_start3A_286 = arith.constant 2 : i32
      %dma_start3A_287 = arith.constant 0 : i32
      %dma_start3A_288 = arith.constant 0 : i32
      %dma_start3A_289 = tpu.memref_slice %arg6[%dma_start3A_286, %dma_start3A_287, %dma_start3A_288] : memref<4x16x1024xf32, #tpu.memory_space<vmem>> -> memref<1x16x1024xf32, #tpu.memory_space<vmem>>
      %dma_start3A_290 = tpu.memref_squeeze %dma_start3A_289 : memref<1x16x1024xf32, #tpu.memory_space<vmem>> -> memref<16x1024xf32, #tpu.memory_space<vmem>>
      %dma_start3A_291 = arith.constant 0 : i32
      %dma_start3A_292 = tpu.memref_slice %arg2[%add3A_285, %dma_start3A_291] : memref<8192x1024xf32, #tpu.memory_space<hbm>> -> memref<16x1024xf32, #tpu.memory_space<hbm>>
      %dma_start3A_293 = arith.constant 0 : i32
      %dma_start3A_294 = arith.constant 0 : i32
      %dma_start3A_295 = tpu.memref_slice %arg6[%dma_start3A_286, %dma_start3A_293, %dma_start3A_294] : memref<4x16x1024xf32, #tpu.memory_space<vmem>> -> memref<1x16x1024xf32, #tpu.memory_space<vmem>>
      %dma_start3A_296 = tpu.memref_squeeze %dma_start3A_295 : memref<1x16x1024xf32, #tpu.memory_space<vmem>> -> memref<16x1024xf32, #tpu.memory_space<vmem>>
      %dma_start3A_297 = arith.constant 0 : i32
      %dma_start3A_298 = tpu.memref_slice %arg2[%add3A_285, %dma_start3A_297] : memref<8192x1024xf32, #tpu.memory_space<hbm>> -> memref<16x1024xf32, #tpu.memory_space<hbm>>
      tpu.enqueue_dma source(%dma_start3A_298 : memref<16x1024xf32, #tpu.memory_space<hbm>>) target(%dma_start3A_296 : memref<16x1024xf32, #tpu.memory_space<vmem>>) target_semaphore(%arg9 : memref<!tpu.dma_semaphore, #tpu.memory_space<semaphore_mem>>)
      %dma_wait3A_299 = arith.constant 0 : i32
      %dma_wait3A_300 = arith.constant 0 : i32
      %dma_wait3A_301 = arith.constant 0 : i32
      %dma_wait3A_302 = tpu.memref_slice %arg6[%dma_wait3A_299, %dma_wait3A_300, %dma_wait3A_301] : memref<4x16x1024xf32, #tpu.memory_space<vmem>> -> memref<1x16x1024xf32, #tpu.memory_space<vmem>>
      %dma_wait3A_303 = tpu.memref_squeeze %dma_wait3A_302 : memref<1x16x1024xf32, #tpu.memory_space<vmem>> -> memref<16x1024xf32, #tpu.memory_space<vmem>>
      %dma_wait3A_304 = arith.constant 0 : i32
      %dma_wait3A_305 = tpu.memref_slice %arg2[%add3A_159, %dma_wait3A_304] : memref<8192x1024xf32, #tpu.memory_space<hbm>> -> memref<16x1024xf32, #tpu.memory_space<hbm>>
      %dma_wait3A_306 = arith.constant 0 : i32
      %dma_wait3A_307 = arith.constant 0 : i32
      %dma_wait3A_308 = tpu.memref_slice %arg6[%dma_wait3A_299, %dma_wait3A_306, %dma_wait3A_307] : memref<4x16x1024xf32, #tpu.memory_space<vmem>> -> memref<1x16x1024xf32, #tpu.memory_space<vmem>>
      %dma_wait3A_309 = tpu.memref_squeeze %dma_wait3A_308 : memref<1x16x1024xf32, #tpu.memory_space<vmem>> -> memref<16x1024xf32, #tpu.memory_space<vmem>>
      %dma_wait3A_310 = arith.constant 0 : i32
      %dma_wait3A_311 = tpu.memref_slice %arg2[%add3A_159, %dma_wait3A_310] : memref<8192x1024xf32, #tpu.memory_space<hbm>> -> memref<16x1024xf32, #tpu.memory_space<hbm>>
      tpu.wait_dma2 semaphore(%arg7 : memref<!tpu.dma_semaphore, #tpu.memory_space<semaphore_mem>>) src(%dma_wait3A_311 : memref<16x1024xf32, #tpu.memory_space<hbm>>) dst(%dma_wait3A_309 : memref<16x1024xf32, #tpu.memory_space<vmem>>)
      %parallel_loop3A_312 = arith.constant 0 : i32
      %parallel_loop3A_313 = arith.constant 1024 : i32
      %parallel_loop3A_314 = arith.constant 1 : i32
      scf.for %parallel_loop3A_513 = %parallel_loop3A_312 to %parallel_loop3A_313 step %parallel_loop3A_314  : i32 {
        %parallel_loop3A_514 = arith.constant 6 : i32
        %parallel_loop3A_515 = arith.shrsi %parallel_loop3A_513, %parallel_loop3A_514 : i32
        %parallel_loop3A_516 = arith.constant 63 : i32
        %parallel_loop3A_517 = arith.andi %parallel_loop3A_513, %parallel_loop3A_516 : i32
        %parallel_loop3A_518 = arith.constant 16 : i32
        %parallel_loop3A_519 = arith.muli %parallel_loop3A_517, %parallel_loop3A_518 : i32
        %parallel_loop3A_520 = arith.constant 0 : i32
        %parallel_loop3A_521 = arith.addi %parallel_loop3A_520, %parallel_loop3A_515 : i32
        %parallel_loop3A_522 = arith.index_cast %parallel_loop3A_521 : i32 to index
        %parallel_loop3A_523 = arith.index_cast %parallel_loop3A_519 : i32 to index
        %parallel_loop3A_524 = tpu.vector_load %arg5[%parallel_loop3A_522, %parallel_loop3A_523] {strides = array<i32>} : memref<32x1024xf32, #tpu.memory_space<vmem>>, vector<1x16xf32>,
        %parallel_loop3A_525 = vector.shape_cast %parallel_loop3A_524 : vector<1x16xf32> to vector<16xf32>
        %parallel_loop3A_526 = arith.constant 0 : i32
        %parallel_loop3A_527 = arith.index_cast %parallel_loop3A_526 : i32 to index
        %parallel_loop3A_528 = arith.index_cast %parallel_loop3A_515 : i32 to index
        %parallel_loop3A_529 = arith.index_cast %parallel_loop3A_519 : i32 to index
        %parallel_loop3A_530 = tpu.vector_load %arg6[%parallel_loop3A_527, %parallel_loop3A_528, %parallel_loop3A_529] {strides = array<i32>} : memref<4x16x1024xf32, #tpu.memory_space<vmem>>, vector<1x1x16xf32>,
        %parallel_loop3A_531 = vector.shape_cast %parallel_loop3A_530 : vector<1x1x16xf32> to vector<16xf32>
        %parallel_loop3A_532 = vector.shape_cast %parallel_loop3A_525 : vector<16xf32> to vector<1x1x16xf32>
        tpu.vector_store %arg6[%parallel_loop3A_527, %parallel_loop3A_528, %parallel_loop3A_529], %parallel_loop3A_532 {add = true, strides = array<i32>} : memref<4x16x1024xf32, #tpu.memory_space<vmem>>, vector<1x1x16xf32>,
      } {sc.loop_unroll_factor = 8 : i64, sc.parallel_access}
      %add3A_315 = arith.constant 4096 : i32
      %add3A_316 = arith.addi %add3A_315, %add3A_11 : i32
      %add3A_317 = arith.constant 0 : i32
      %add3A_318 = arith.addi %add3A_316, %add3A_317 : i32
      %dma_start3A_319 = arith.constant 0 : i32
      %dma_start3A_320 = arith.constant 0 : i32
      %dma_start3A_321 = arith.constant 0 : i32
      %dma_start3A_322 = tpu.memref_slice %arg6[%dma_start3A_319, %dma_start3A_320, %dma_start3A_321] : memref<4x16x1024xf32, #tpu.memory_space<vmem>> -> memref<1x16x1024xf32, #tpu.memory_space<vmem>>
      %dma_start3A_323 = tpu.memref_squeeze %dma_start3A_322 : memref<1x16x1024xf32, #tpu.memory_space<vmem>> -> memref<16x1024xf32, #tpu.memory_space<vmem>>
      %dma_start3A_324 = arith.constant 0 : i32
      %dma_start3A_325 = tpu.memref_slice %arg4[%add3A_318, %dma_start3A_324] : memref<8192x1024xf32, #tpu.memory_space<hbm>> -> memref<16x1024xf32, #tpu.memory_space<hbm>>
      %dma_start3A_326 = arith.constant 0 : i32
      %dma_start3A_327 = tpu.memref_slice %arg4[%add3A_318, %dma_start3A_326] : memref<8192x1024xf32, #tpu.memory_space<hbm>> -> memref<16x1024xf32, #tpu.memory_space<hbm>>
      %dma_start3A_328 = arith.constant 0 : i32
      %dma_start3A_329 = arith.constant 0 : i32
      %dma_start3A_330 = tpu.memref_slice %arg6[%dma_start3A_319, %dma_start3A_328, %dma_start3A_329] : memref<4x16x1024xf32, #tpu.memory_space<vmem>> -> memref<1x16x1024xf32, #tpu.memory_space<vmem>>
      %dma_start3A_331 = tpu.memref_squeeze %dma_start3A_330 : memref<1x16x1024xf32, #tpu.memory_space<vmem>> -> memref<16x1024xf32, #tpu.memory_space<vmem>>
      tpu.enqueue_dma source(%dma_start3A_331 : memref<16x1024xf32, #tpu.memory_space<vmem>>) target(%dma_start3A_327 : memref<16x1024xf32, #tpu.memory_space<hbm>>) target_semaphore(%arg11 : memref<!tpu.dma_semaphore, #tpu.memory_space<semaphore_mem>>)
      %dma_wait3A_332 = arith.constant 3 : i32
      %dma_wait3A_333 = arith.constant 0 : i32
      %dma_wait3A_334 = arith.constant 0 : i32
      %dma_wait3A_335 = tpu.memref_slice %arg6[%dma_wait3A_332, %dma_wait3A_333, %dma_wait3A_334] : memref<4x16x1024xf32, #tpu.memory_space<vmem>> -> memref<1x16x1024xf32, #tpu.memory_space<vmem>>
      %dma_wait3A_336 = tpu.memref_squeeze %dma_wait3A_335 : memref<1x16x1024xf32, #tpu.memory_space<vmem>> -> memref<16x1024xf32, #tpu.memory_space<vmem>>
      %dma_wait3A_337 = arith.constant 0 : i32
      %dma_wait3A_338 = tpu.memref_slice %arg4[%add3A_255, %dma_wait3A_337] : memref<8192x1024xf32, #tpu.memory_space<hbm>> -> memref<16x1024xf32, #tpu.memory_space<hbm>>
      %dma_wait3A_339 = arith.constant 0 : i32
      %dma_wait3A_340 = tpu.memref_slice %arg4[%add3A_255, %dma_wait3A_339] : memref<8192x1024xf32, #tpu.memory_space<hbm>> -> memref<16x1024xf32, #tpu.memory_space<hbm>>
      %dma_wait3A_341 = arith.constant 0 : i32
      %dma_wait3A_342 = arith.constant 0 : i32
      %dma_wait3A_343 = tpu.memref_slice %arg6[%dma_wait3A_332, %dma_wait3A_341, %dma_wait3A_342] : memref<4x16x1024xf32, #tpu.memory_space<vmem>> -> memref<1x16x1024xf32, #tpu.memory_space<vmem>>
      %dma_wait3A_344 = tpu.memref_squeeze %dma_wait3A_343 : memref<1x16x1024xf32, #tpu.memory_space<vmem>> -> memref<16x1024xf32, #tpu.memory_space<vmem>>
      tpu.wait_dma2 semaphore(%arg14 : memref<!tpu.dma_semaphore, #tpu.memory_space<semaphore_mem>>) src(%dma_wait3A_344 : memref<16x1024xf32, #tpu.memory_space<vmem>>) dst(%dma_wait3A_340 : memref<16x1024xf32, #tpu.memory_space<hbm>>)
      %add3A_345 = arith.constant 6144 : i32
      %add3A_346 = arith.addi %add3A_345, %add3A_11 : i32
      %add3A_347 = arith.constant 16 : i32
      %add3A_348 = arith.addi %add3A_346, %add3A_347 : i32
      %dma_start3A_349 = arith.constant 3 : i32
      %dma_start3A_350 = arith.constant 0 : i32
      %dma_start3A_351 = arith.constant 0 : i32
      %dma_start3A_352 = tpu.memref_slice %arg6[%dma_start3A_349, %dma_start3A_350, %dma_start3A_351] : memref<4x16x1024xf32, #tpu.memory_space<vmem>> -> memref<1x16x1024xf32, #tpu.memory_space<vmem>>
      %dma_start3A_353 = tpu.memref_squeeze %dma_start3A_352 : memref<1x16x1024xf32, #tpu.memory_space<vmem>> -> memref<16x1024xf32, #tpu.memory_space<vmem>>
      %dma_start3A_354 = arith.constant 0 : i32
      %dma_start3A_355 = tpu.memref_slice %arg2[%add3A_348, %dma_start3A_354] : memref<8192x1024xf32, #tpu.memory_space<hbm>> -> memref<16x1024xf32, #tpu.memory_space<hbm>>
      %dma_start3A_356 = arith.constant 0 : i32
      %dma_start3A_357 = arith.constant 0 : i32
      %dma_start3A_358 = tpu.memref_slice %arg6[%dma_start3A_349, %dma_start3A_356, %dma_start3A_357] : memref<4x16x1024xf32, #tpu.memory_space<vmem>> -> memref<1x16x1024xf32, #tpu.memory_space<vmem>>
      %dma_start3A_359 = tpu.memref_squeeze %dma_start3A_358 : memref<1x16x1024xf32, #tpu.memory_space<vmem>> -> memref<16x1024xf32, #tpu.memory_space<vmem>>
      %dma_start3A_360 = arith.constant 0 : i32
      %dma_start3A_361 = tpu.memref_slice %arg2[%add3A_348, %dma_start3A_360] : memref<8192x1024xf32, #tpu.memory_space<hbm>> -> memref<16x1024xf32, #tpu.memory_space<hbm>>
      tpu.enqueue_dma source(%dma_start3A_361 : memref<16x1024xf32, #tpu.memory_space<hbm>>) target(%dma_start3A_359 : memref<16x1024xf32, #tpu.memory_space<vmem>>) target_semaphore(%arg10 : memref<!tpu.dma_semaphore, #tpu.memory_space<semaphore_mem>>)
      %dma_wait3A_362 = arith.constant 1 : i32
      %dma_wait3A_363 = arith.constant 0 : i32
      %dma_wait3A_364 = arith.constant 0 : i32
      %dma_wait3A_365 = tpu.memref_slice %arg6[%dma_wait3A_362, %dma_wait3A_363, %dma_wait3A_364] : memref<4x16x1024xf32, #tpu.memory_space<vmem>> -> memref<1x16x1024xf32, #tpu.memory_space<vmem>>
      %dma_wait3A_366 = tpu.memref_squeeze %dma_wait3A_365 : memref<1x16x1024xf32, #tpu.memory_space<vmem>> -> memref<16x1024xf32, #tpu.memory_space<vmem>>
      %dma_wait3A_367 = arith.constant 0 : i32
      %dma_wait3A_368 = tpu.memref_slice %arg2[%add3A_222, %dma_wait3A_367] : memref<8192x1024xf32, #tpu.memory_space<hbm>> -> memref<16x1024xf32, #tpu.memory_space<hbm>>
      %dma_wait3A_369 = arith.constant 0 : i32
      %dma_wait3A_370 = arith.constant 0 : i32
      %dma_wait3A_371 = tpu.memref_slice %arg6[%dma_wait3A_362, %dma_wait3A_369, %dma_wait3A_370] : memref<4x16x1024xf32, #tpu.memory_space<vmem>> -> memref<1x16x1024xf32, #tpu.memory_space<vmem>>
      %dma_wait3A_372 = tpu.memref_squeeze %dma_wait3A_371 : memref<1x16x1024xf32, #tpu.memory_space<vmem>> -> memref<16x1024xf32, #tpu.memory_space<vmem>>
      %dma_wait3A_373 = arith.constant 0 : i32
      %dma_wait3A_374 = tpu.memref_slice %arg2[%add3A_222, %dma_wait3A_373] : memref<8192x1024xf32, #tpu.memory_space<hbm>> -> memref<16x1024xf32, #tpu.memory_space<hbm>>
      tpu.wait_dma2 semaphore(%arg8 : memref<!tpu.dma_semaphore, #tpu.memory_space<semaphore_mem>>) src(%dma_wait3A_374 : memref<16x1024xf32, #tpu.memory_space<hbm>>) dst(%dma_wait3A_372 : memref<16x1024xf32, #tpu.memory_space<vmem>>)
      %parallel_loop3A_375 = arith.constant 0 : i32
      %parallel_loop3A_376 = arith.constant 1024 : i32
      %parallel_loop3A_377 = arith.constant 1 : i32
      scf.for %parallel_loop3A_513 = %parallel_loop3A_375 to %parallel_loop3A_376 step %parallel_loop3A_377  : i32 {
        %parallel_loop3A_514 = arith.constant 6 : i32
        %parallel_loop3A_515 = arith.shrsi %parallel_loop3A_513, %parallel_loop3A_514 : i32
        %parallel_loop3A_516 = arith.constant 63 : i32
        %parallel_loop3A_517 = arith.andi %parallel_loop3A_513, %parallel_loop3A_516 : i32
        %parallel_loop3A_518 = arith.constant 16 : i32
        %parallel_loop3A_519 = arith.muli %parallel_loop3A_517, %parallel_loop3A_518 : i32
        %parallel_loop3A_520 = arith.constant 16 : i32
        %parallel_loop3A_521 = arith.addi %parallel_loop3A_520, %parallel_loop3A_515 : i32
        %parallel_loop3A_522 = arith.index_cast %parallel_loop3A_521 : i32 to index
        %parallel_loop3A_523 = arith.index_cast %parallel_loop3A_519 : i32 to index
        %parallel_loop3A_524 = tpu.vector_load %arg5[%parallel_loop3A_522, %parallel_loop3A_523] {strides = array<i32>} : memref<32x1024xf32, #tpu.memory_space<vmem>>, vector<1x16xf32>,
        %parallel_loop3A_525 = vector.shape_cast %parallel_loop3A_524 : vector<1x16xf32> to vector<16xf32>
        %parallel_loop3A_526 = arith.constant 1 : i32
        %parallel_loop3A_527 = arith.index_cast %parallel_loop3A_526 : i32 to index
        %parallel_loop3A_528 = arith.index_cast %parallel_loop3A_515 : i32 to index
        %parallel_loop3A_529 = arith.index_cast %parallel_loop3A_519 : i32 to index
        %parallel_loop3A_530 = tpu.vector_load %arg6[%parallel_loop3A_527, %parallel_loop3A_528, %parallel_loop3A_529] {strides = array<i32>} : memref<4x16x1024xf32, #tpu.memory_space<vmem>>, vector<1x1x16xf32>,
        %parallel_loop3A_531 = vector.shape_cast %parallel_loop3A_530 : vector<1x1x16xf32> to vector<16xf32>
        %parallel_loop3A_532 = vector.shape_cast %parallel_loop3A_525 : vector<16xf32> to vector<1x1x16xf32>
        tpu.vector_store %arg6[%parallel_loop3A_527, %parallel_loop3A_528, %parallel_loop3A_529], %parallel_loop3A_532 {add = true, strides = array<i32>} : memref<4x16x1024xf32, #tpu.memory_space<vmem>>, vector<1x1x16xf32>,
      } {sc.loop_unroll_factor = 8 : i64, sc.parallel_access}
      %add3A_378 = arith.constant 4096 : i32
      %add3A_379 = arith.addi %add3A_378, %add3A_11 : i32
      %add3A_380 = arith.constant 16 : i32
      %add3A_381 = arith.addi %add3A_379, %add3A_380 : i32
      %dma_start3A_382 = arith.constant 1 : i32
      %dma_start3A_383 = arith.constant 0 : i32
      %dma_start3A_384 = arith.constant 0 : i32
      %dma_start3A_385 = tpu.memref_slice %arg6[%dma_start3A_382, %dma_start3A_383, %dma_start3A_384] : memref<4x16x1024xf32, #tpu.memory_space<vmem>> -> memref<1x16x1024xf32, #tpu.memory_space<vmem>>
      %dma_start3A_386 = tpu.memref_squeeze %dma_start3A_385 : memref<1x16x1024xf32, #tpu.memory_space<vmem>> -> memref<16x1024xf32, #tpu.memory_space<vmem>>
      %dma_start3A_387 = arith.constant 0 : i32
      %dma_start3A_388 = tpu.memref_slice %arg4[%add3A_381, %dma_start3A_387] : memref<8192x1024xf32, #tpu.memory_space<hbm>> -> memref<16x1024xf32, #tpu.memory_space<hbm>>
      %dma_start3A_389 = arith.constant 0 : i32
      %dma_start3A_390 = tpu.memref_slice %arg4[%add3A_381, %dma_start3A_389] : memref<8192x1024xf32, #tpu.memory_space<hbm>> -> memref<16x1024xf32, #tpu.memory_space<hbm>>
      %dma_start3A_391 = arith.constant 0 : i32
      %dma_start3A_392 = arith.constant 0 : i32
      %dma_start3A_393 = tpu.memref_slice %arg6[%dma_start3A_382, %dma_start3A_391, %dma_start3A_392] : memref<4x16x1024xf32, #tpu.memory_space<vmem>> -> memref<1x16x1024xf32, #tpu.memory_space<vmem>>
      %dma_start3A_394 = tpu.memref_squeeze %dma_start3A_393 : memref<1x16x1024xf32, #tpu.memory_space<vmem>> -> memref<16x1024xf32, #tpu.memory_space<vmem>>
      tpu.enqueue_dma source(%dma_start3A_394 : memref<16x1024xf32, #tpu.memory_space<vmem>>) target(%dma_start3A_390 : memref<16x1024xf32, #tpu.memory_space<hbm>>) target_semaphore(%arg12 : memref<!tpu.dma_semaphore, #tpu.memory_space<semaphore_mem>>)
      %dma_wait3A_395 = arith.constant 2 : i32
      %dma_wait3A_396 = arith.constant 0 : i32
      %dma_wait3A_397 = arith.constant 0 : i32
      %dma_wait3A_398 = tpu.memref_slice %arg6[%dma_wait3A_395, %dma_wait3A_396, %dma_wait3A_397] : memref<4x16x1024xf32, #tpu.memory_space<vmem>> -> memref<1x16x1024xf32, #tpu.memory_space<vmem>>
      %dma_wait3A_399 = tpu.memref_squeeze %dma_wait3A_398 : memref<1x16x1024xf32, #tpu.memory_space<vmem>> -> memref<16x1024xf32, #tpu.memory_space<vmem>>
      %dma_wait3A_400 = arith.constant 0 : i32
      %dma_wait3A_401 = tpu.memref_slice %arg2[%add3A_285, %dma_wait3A_400] : memref<8192x1024xf32, #tpu.memory_space<hbm>> -> memref<16x1024xf32, #tpu.memory_space<hbm>>
      %dma_wait3A_402 = arith.constant 0 : i32
      %dma_wait3A_403 = arith.constant 0 : i32
      %dma_wait3A_404 = tpu.memref_slice %arg6[%dma_wait3A_395, %dma_wait3A_402, %dma_wait3A_403] : memref<4x16x1024xf32, #tpu.memory_space<vmem>> -> memref<1x16x1024xf32, #tpu.memory_space<vmem>>
      %dma_wait3A_405 = tpu.memref_squeeze %dma_wait3A_404 : memref<1x16x1024xf32, #tpu.memory_space<vmem>> -> memref<16x1024xf32, #tpu.memory_space<vmem>>
      %dma_wait3A_406 = arith.constant 0 : i32
      %dma_wait3A_407 = tpu.memref_slice %arg2[%add3A_285, %dma_wait3A_406] : memref<8192x1024xf32, #tpu.memory_space<hbm>> -> memref<16x1024xf32, #tpu.memory_space<hbm>>
      tpu.wait_dma2 semaphore(%arg9 : memref<!tpu.dma_semaphore, #tpu.memory_space<semaphore_mem>>) src(%dma_wait3A_407 : memref<16x1024xf32, #tpu.memory_space<hbm>>) dst(%dma_wait3A_405 : memref<16x1024xf32, #tpu.memory_space<vmem>>)
      %parallel_loop3A_408 = arith.constant 0 : i32
      %parallel_loop3A_409 = arith.constant 1024 : i32
      %parallel_loop3A_410 = arith.constant 1 : i32
      scf.for %parallel_loop3A_513 = %parallel_loop3A_408 to %parallel_loop3A_409 step %parallel_loop3A_410  : i32 {
        %parallel_loop3A_514 = arith.constant 6 : i32
        %parallel_loop3A_515 = arith.shrsi %parallel_loop3A_513, %parallel_loop3A_514 : i32
        %parallel_loop3A_516 = arith.constant 63 : i32
        %parallel_loop3A_517 = arith.andi %parallel_loop3A_513, %parallel_loop3A_516 : i32
        %parallel_loop3A_518 = arith.constant 16 : i32
        %parallel_loop3A_519 = arith.muli %parallel_loop3A_517, %parallel_loop3A_518 : i32
        %parallel_loop3A_520 = arith.constant 0 : i32
        %parallel_loop3A_521 = arith.addi %parallel_loop3A_520, %parallel_loop3A_515 : i32
        %parallel_loop3A_522 = arith.index_cast %parallel_loop3A_521 : i32 to index
        %parallel_loop3A_523 = arith.index_cast %parallel_loop3A_519 : i32 to index
        %parallel_loop3A_524 = tpu.vector_load %arg5[%parallel_loop3A_522, %parallel_loop3A_523] {strides = array<i32>} : memref<32x1024xf32, #tpu.memory_space<vmem>>, vector<1x16xf32>,
        %parallel_loop3A_525 = vector.shape_cast %parallel_loop3A_524 : vector<1x16xf32> to vector<16xf32>
        %parallel_loop3A_526 = arith.constant 2 : i32
        %parallel_loop3A_527 = arith.index_cast %parallel_loop3A_526 : i32 to index
        %parallel_loop3A_528 = arith.index_cast %parallel_loop3A_515 : i32 to index
        %parallel_loop3A_529 = arith.index_cast %parallel_loop3A_519 : i32 to index
        %parallel_loop3A_530 = tpu.vector_load %arg6[%parallel_loop3A_527, %parallel_loop3A_528, %parallel_loop3A_529] {strides = array<i32>} : memref<4x16x1024xf32, #tpu.memory_space<vmem>>, vector<1x1x16xf32>,
        %parallel_loop3A_531 = vector.shape_cast %parallel_loop3A_530 : vector<1x1x16xf32> to vector<16xf32>
        %parallel_loop3A_532 = vector.shape_cast %parallel_loop3A_525 : vector<16xf32> to vector<1x1x16xf32>
        tpu.vector_store %arg6[%parallel_loop3A_527, %parallel_loop3A_528, %parallel_loop3A_529], %parallel_loop3A_532 {add = true, strides = array<i32>} : memref<4x16x1024xf32, #tpu.memory_space<vmem>>, vector<1x1x16xf32>,
      } {sc.loop_unroll_factor = 8 : i64, sc.parallel_access}
      %add3A_411 = arith.constant 6144 : i32
      %add3A_412 = arith.addi %add3A_411, %add3A_11 : i32
      %add3A_413 = arith.constant 0 : i32
      %add3A_414 = arith.addi %add3A_412, %add3A_413 : i32
      %dma_start3A_415 = arith.constant 2 : i32
      %dma_start3A_416 = arith.constant 0 : i32
      %dma_start3A_417 = arith.constant 0 : i32
      %dma_start3A_418 = tpu.memref_slice %arg6[%dma_start3A_415, %dma_start3A_416, %dma_start3A_417] : memref<4x16x1024xf32, #tpu.memory_space<vmem>> -> memref<1x16x1024xf32, #tpu.memory_space<vmem>>
      %dma_start3A_419 = tpu.memref_squeeze %dma_start3A_418 : memref<1x16x1024xf32, #tpu.memory_space<vmem>> -> memref<16x1024xf32, #tpu.memory_space<vmem>>
      %dma_start3A_420 = arith.constant 0 : i32
      %dma_start3A_421 = tpu.memref_slice %arg4[%add3A_414, %dma_start3A_420] : memref<8192x1024xf32, #tpu.memory_space<hbm>> -> memref<16x1024xf32, #tpu.memory_space<hbm>>
      %dma_start3A_422 = arith.constant 0 : i32
      %dma_start3A_423 = tpu.memref_slice %arg4[%add3A_414, %dma_start3A_422] : memref<8192x1024xf32, #tpu.memory_space<hbm>> -> memref<16x1024xf32, #tpu.memory_space<hbm>>
      %dma_start3A_424 = arith.constant 0 : i32
      %dma_start3A_425 = arith.constant 0 : i32
      %dma_start3A_426 = tpu.memref_slice %arg6[%dma_start3A_415, %dma_start3A_424, %dma_start3A_425] : memref<4x16x1024xf32, #tpu.memory_space<vmem>> -> memref<1x16x1024xf32, #tpu.memory_space<vmem>>
      %dma_start3A_427 = tpu.memref_squeeze %dma_start3A_426 : memref<1x16x1024xf32, #tpu.memory_space<vmem>> -> memref<16x1024xf32, #tpu.memory_space<vmem>>
      tpu.enqueue_dma source(%dma_start3A_427 : memref<16x1024xf32, #tpu.memory_space<vmem>>) target(%dma_start3A_423 : memref<16x1024xf32, #tpu.memory_space<hbm>>) target_semaphore(%arg13 : memref<!tpu.dma_semaphore, #tpu.memory_space<semaphore_mem>>)
      %dma_wait3A_428 = arith.constant 3 : i32
      %dma_wait3A_429 = arith.constant 0 : i32
      %dma_wait3A_430 = arith.constant 0 : i32
      %dma_wait3A_431 = tpu.memref_slice %arg6[%dma_wait3A_428, %dma_wait3A_429, %dma_wait3A_430] : memref<4x16x1024xf32, #tpu.memory_space<vmem>> -> memref<1x16x1024xf32, #tpu.memory_space<vmem>>
      %dma_wait3A_432 = tpu.memref_squeeze %dma_wait3A_431 : memref<1x16x1024xf32, #tpu.memory_space<vmem>> -> memref<16x1024xf32, #tpu.memory_space<vmem>>
      %dma_wait3A_433 = arith.constant 0 : i32
      %dma_wait3A_434 = tpu.memref_slice %arg2[%add3A_348, %dma_wait3A_433] : memref<8192x1024xf32, #tpu.memory_space<hbm>> -> memref<16x1024xf32, #tpu.memory_space<hbm>>
      %dma_wait3A_435 = arith.constant 0 : i32
      %dma_wait3A_436 = arith.constant 0 : i32
      %dma_wait3A_437 = tpu.memref_slice %arg6[%dma_wait3A_428, %dma_wait3A_435, %dma_wait3A_436] : memref<4x16x1024xf32, #tpu.memory_space<vmem>> -> memref<1x16x1024xf32, #tpu.memory_space<vmem>>
      %dma_wait3A_438 = tpu.memref_squeeze %dma_wait3A_437 : memref<1x16x1024xf32, #tpu.memory_space<vmem>> -> memref<16x1024xf32, #tpu.memory_space<vmem>>
      %dma_wait3A_439 = arith.constant 0 : i32
      %dma_wait3A_440 = tpu.memref_slice %arg2[%add3A_348, %dma_wait3A_439] : memref<8192x1024xf32, #tpu.memory_space<hbm>> -> memref<16x1024xf32, #tpu.memory_space<hbm>>
      tpu.wait_dma2 semaphore(%arg10 : memref<!tpu.dma_semaphore, #tpu.memory_space<semaphore_mem>>) src(%dma_wait3A_440 : memref<16x1024xf32, #tpu.memory_space<hbm>>) dst(%dma_wait3A_438 : memref<16x1024xf32, #tpu.memory_space<vmem>>)
      %parallel_loop3A_441 = arith.constant 0 : i32
      %parallel_loop3A_442 = arith.constant 1024 : i32
      %parallel_loop3A_443 = arith.constant 1 : i32
      scf.for %parallel_loop3A_513 = %parallel_loop3A_441 to %parallel_loop3A_442 step %parallel_loop3A_443  : i32 {
        %parallel_loop3A_514 = arith.constant 6 : i32
        %parallel_loop3A_515 = arith.shrsi %parallel_loop3A_513, %parallel_loop3A_514 : i32
        %parallel_loop3A_516 = arith.constant 63 : i32
        %parallel_loop3A_517 = arith.andi %parallel_loop3A_513, %parallel_loop3A_516 : i32
        %parallel_loop3A_518 = arith.constant 16 : i32
        %parallel_loop3A_519 = arith.muli %parallel_loop3A_517, %parallel_loop3A_518 : i32
        %parallel_loop3A_520 = arith.constant 16 : i32
        %parallel_loop3A_521 = arith.addi %parallel_loop3A_520, %parallel_loop3A_515 : i32
        %parallel_loop3A_522 = arith.index_cast %parallel_loop3A_521 : i32 to index
        %parallel_loop3A_523 = arith.index_cast %parallel_loop3A_519 : i32 to index
        %parallel_loop3A_524 = tpu.vector_load %arg5[%parallel_loop3A_522, %parallel_loop3A_523] {strides = array<i32>} : memref<32x1024xf32, #tpu.memory_space<vmem>>, vector<1x16xf32>,
        %parallel_loop3A_525 = vector.shape_cast %parallel_loop3A_524 : vector<1x16xf32> to vector<16xf32>
        %parallel_loop3A_526 = arith.constant 3 : i32
        %parallel_loop3A_527 = arith.index_cast %parallel_loop3A_526 : i32 to index
        %parallel_loop3A_528 = arith.index_cast %parallel_loop3A_515 : i32 to index
        %parallel_loop3A_529 = arith.index_cast %parallel_loop3A_519 : i32 to index
        %parallel_loop3A_530 = tpu.vector_load %arg6[%parallel_loop3A_527, %parallel_loop3A_528, %parallel_loop3A_529] {strides = array<i32>} : memref<4x16x1024xf32, #tpu.memory_space<vmem>>, vector<1x1x16xf32>,
        %parallel_loop3A_531 = vector.shape_cast %parallel_loop3A_530 : vector<1x1x16xf32> to vector<16xf32>
        %parallel_loop3A_532 = vector.shape_cast %parallel_loop3A_525 : vector<16xf32> to vector<1x1x16xf32>
        tpu.vector_store %arg6[%parallel_loop3A_527, %parallel_loop3A_528, %parallel_loop3A_529], %parallel_loop3A_532 {add = true, strides = array<i32>} : memref<4x16x1024xf32, #tpu.memory_space<vmem>>, vector<1x1x16xf32>,
      } {sc.loop_unroll_factor = 8 : i64, sc.parallel_access}
      %add3A_444 = arith.constant 6144 : i32
      %add3A_445 = arith.addi %add3A_444, %add3A_11 : i32
      %add3A_446 = arith.constant 16 : i32
      %add3A_447 = arith.addi %add3A_445, %add3A_446 : i32
      %dma_start3A_448 = arith.constant 3 : i32
      %dma_start3A_449 = arith.constant 0 : i32
      %dma_start3A_450 = arith.constant 0 : i32
      %dma_start3A_451 = tpu.memref_slice %arg6[%dma_start3A_448, %dma_start3A_449, %dma_start3A_450] : memref<4x16x1024xf32, #tpu.memory_space<vmem>> -> memref<1x16x1024xf32, #tpu.memory_space<vmem>>
      %dma_start3A_452 = tpu.memref_squeeze %dma_start3A_451 : memref<1x16x1024xf32, #tpu.memory_space<vmem>> -> memref<16x1024xf32, #tpu.memory_space<vmem>>
      %dma_start3A_453 = arith.constant 0 : i32
      %dma_start3A_454 = tpu.memref_slice %arg4[%add3A_447, %dma_start3A_453] : memref<8192x1024xf32, #tpu.memory_space<hbm>> -> memref<16x1024xf32, #tpu.memory_space<hbm>>
      %dma_start3A_455 = arith.constant 0 : i32
      %dma_start3A_456 = tpu.memref_slice %arg4[%add3A_447, %dma_start3A_455] : memref<8192x1024xf32, #tpu.memory_space<hbm>> -> memref<16x1024xf32, #tpu.memory_space<hbm>>
      %dma_start3A_457 = arith.constant 0 : i32
      %dma_start3A_458 = arith.constant 0 : i32
      %dma_start3A_459 = tpu.memref_slice %arg6[%dma_start3A_448, %dma_start3A_457, %dma_start3A_458] : memref<4x16x1024xf32, #tpu.memory_space<vmem>> -> memref<1x16x1024xf32, #tpu.memory_space<vmem>>
      %dma_start3A_460 = tpu.memref_squeeze %dma_start3A_459 : memref<1x16x1024xf32, #tpu.memory_space<vmem>> -> memref<16x1024xf32, #tpu.memory_space<vmem>>
      tpu.enqueue_dma source(%dma_start3A_460 : memref<16x1024xf32, #tpu.memory_space<vmem>>) target(%dma_start3A_456 : memref<16x1024xf32, #tpu.memory_space<hbm>>) target_semaphore(%arg14 : memref<!tpu.dma_semaphore, #tpu.memory_space<semaphore_mem>>)
      %dma_wait3A_461 = arith.constant 0 : i32
      %dma_wait3A_462 = arith.constant 0 : i32
      %dma_wait3A_463 = arith.constant 0 : i32
      %dma_wait3A_464 = tpu.memref_slice %arg6[%dma_wait3A_461, %dma_wait3A_462, %dma_wait3A_463] : memref<4x16x1024xf32, #tpu.memory_space<vmem>> -> memref<1x16x1024xf32, #tpu.memory_space<vmem>>
      %dma_wait3A_465 = tpu.memref_squeeze %dma_wait3A_464 : memref<1x16x1024xf32, #tpu.memory_space<vmem>> -> memref<16x1024xf32, #tpu.memory_space<vmem>>
      %dma_wait3A_466 = arith.constant 0 : i32
      %dma_wait3A_467 = tpu.memref_slice %arg4[%add3A_318, %dma_wait3A_466] : memref<8192x1024xf32, #tpu.memory_space<hbm>> -> memref<16x1024xf32, #tpu.memory_space<hbm>>
      %dma_wait3A_468 = arith.constant 0 : i32
      %dma_wait3A_469 = tpu.memref_slice %arg4[%add3A_318, %dma_wait3A_468] : memref<8192x1024xf32, #tpu.memory_space<hbm>> -> memref<16x1024xf32, #tpu.memory_space<hbm>>
      %dma_wait3A_470 = arith.constant 0 : i32
      %dma_wait3A_471 = arith.constant 0 : i32
      %dma_wait3A_472 = tpu.memref_slice %arg6[%dma_wait3A_461, %dma_wait3A_470, %dma_wait3A_471] : memref<4x16x1024xf32, #tpu.memory_space<vmem>> -> memref<1x16x1024xf32, #tpu.memory_space<vmem>>
      %dma_wait3A_473 = tpu.memref_squeeze %dma_wait3A_472 : memref<1x16x1024xf32, #tpu.memory_space<vmem>> -> memref<16x1024xf32, #tpu.memory_space<vmem>>
      tpu.wait_dma2 semaphore(%arg11 : memref<!tpu.dma_semaphore, #tpu.memory_space<semaphore_mem>>) src(%dma_wait3A_473 : memref<16x1024xf32, #tpu.memory_space<vmem>>) dst(%dma_wait3A_469 : memref<16x1024xf32, #tpu.memory_space<hbm>>)
      %dma_wait3A_474 = arith.constant 1 : i32
      %dma_wait3A_475 = arith.constant 0 : i32
      %dma_wait3A_476 = arith.constant 0 : i32
      %dma_wait3A_477 = tpu.memref_slice %arg6[%dma_wait3A_474, %dma_wait3A_475, %dma_wait3A_476] : memref<4x16x1024xf32, #tpu.memory_space<vmem>> -> memref<1x16x1024xf32, #tpu.memory_space<vmem>>
      %dma_wait3A_478 = tpu.memref_squeeze %dma_wait3A_477 : memref<1x16x1024xf32, #tpu.memory_space<vmem>> -> memref<16x1024xf32, #tpu.memory_space<vmem>>
      %dma_wait3A_479 = arith.constant 0 : i32
      %dma_wait3A_480 = tpu.memref_slice %arg4[%add3A_381, %dma_wait3A_479] : memref<8192x1024xf32, #tpu.memory_space<hbm>> -> memref<16x1024xf32, #tpu.memory_space<hbm>>
      %dma_wait3A_481 = arith.constant 0 : i32
      %dma_wait3A_482 = tpu.memref_slice %arg4[%add3A_381, %dma_wait3A_481] : memref<8192x1024xf32, #tpu.memory_space<hbm>> -> memref<16x1024xf32, #tpu.memory_space<hbm>>
      %dma_wait3A_483 = arith.constant 0 : i32
      %dma_wait3A_484 = arith.constant 0 : i32
      %dma_wait3A_485 = tpu.memref_slice %arg6[%dma_wait3A_474, %dma_wait3A_483, %dma_wait3A_484] : memref<4x16x1024xf32, #tpu.memory_space<vmem>> -> memref<1x16x1024xf32, #tpu.memory_space<vmem>>
      %dma_wait3A_486 = tpu.memref_squeeze %dma_wait3A_485 : memref<1x16x1024xf32, #tpu.memory_space<vmem>> -> memref<16x1024xf32, #tpu.memory_space<vmem>>
      tpu.wait_dma2 semaphore(%arg12 : memref<!tpu.dma_semaphore, #tpu.memory_space<semaphore_mem>>) src(%dma_wait3A_486 : memref<16x1024xf32, #tpu.memory_space<vmem>>) dst(%dma_wait3A_482 : memref<16x1024xf32, #tpu.memory_space<hbm>>)
      %dma_wait3A_487 = arith.constant 2 : i32
      %dma_wait3A_488 = arith.constant 0 : i32
      %dma_wait3A_489 = arith.constant 0 : i32
      %dma_wait3A_490 = tpu.memref_slice %arg6[%dma_wait3A_487, %dma_wait3A_488, %dma_wait3A_489] : memref<4x16x1024xf32, #tpu.memory_space<vmem>> -> memref<1x16x1024xf32, #tpu.memory_space<vmem>>
      %dma_wait3A_491 = tpu.memref_squeeze %dma_wait3A_490 : memref<1x16x1024xf32, #tpu.memory_space<vmem>> -> memref<16x1024xf32, #tpu.memory_space<vmem>>
      %dma_wait3A_492 = arith.constant 0 : i32
      %dma_wait3A_493 = tpu.memref_slice %arg4[%add3A_414, %dma_wait3A_492] : memref<8192x1024xf32, #tpu.memory_space<hbm>> -> memref<16x1024xf32, #tpu.memory_space<hbm>>
      %dma_wait3A_494 = arith.constant 0 : i32
      %dma_wait3A_495 = tpu.memref_slice %arg4[%add3A_414, %dma_wait3A_494] : memref<8192x1024xf32, #tpu.memory_space<hbm>> -> memref<16x1024xf32, #tpu.memory_space<hbm>>
      %dma_wait3A_496 = arith.constant 0 : i32
      %dma_wait3A_497 = arith.constant 0 : i32
      %dma_wait3A_498 = tpu.memref_slice %arg6[%dma_wait3A_487, %dma_wait3A_496, %dma_wait3A_497] : memref<4x16x1024xf32, #tpu.memory_space<vmem>> -> memref<1x16x1024xf32, #tpu.memory_space<vmem>>
      %dma_wait3A_499 = tpu.memref_squeeze %dma_wait3A_498 : memref<1x16x1024xf32, #tpu.memory_space<vmem>> -> memref<16x1024xf32, #tpu.memory_space<vmem>>
      tpu.wait_dma2 semaphore(%arg13 : memref<!tpu.dma_semaphore, #tpu.memory_space<semaphore_mem>>) src(%dma_wait3A_499 : memref<16x1024xf32, #tpu.memory_space<vmem>>) dst(%dma_wait3A_495 : memref<16x1024xf32, #tpu.memory_space<hbm>>)
      %dma_wait3A_500 = arith.constant 3 : i32
      %dma_wait3A_501 = arith.constant 0 : i32
      %dma_wait3A_502 = arith.constant 0 : i32
      %dma_wait3A_503 = tpu.memref_slice %arg6[%dma_wait3A_500, %dma_wait3A_501, %dma_wait3A_502] : memref<4x16x1024xf32, #tpu.memory_space<vmem>> -> memref<1x16x1024xf32, #tpu.memory_space<vmem>>
      %dma_wait3A_504 = tpu.memref_squeeze %dma_wait3A_503 : memref<1x16x1024xf32, #tpu.memory_space<vmem>> -> memref<16x1024xf32, #tpu.memory_space<vmem>>
      %dma_wait3A_505 = arith.constant 0 : i32
      %dma_wait3A_506 = tpu.memref_slice %arg4[%add3A_447, %dma_wait3A_505] : memref<8192x1024xf32, #tpu.memory_space<hbm>> -> memref<16x1024xf32, #tpu.memory_space<hbm>>
      %dma_wait3A_507 = arith.constant 0 : i32
      %dma_wait3A_508 = tpu.memref_slice %arg4[%add3A_447, %dma_wait3A_507] : memref<8192x1024xf32, #tpu.memory_space<hbm>> -> memref<16x1024xf32, #tpu.memory_space<hbm>>
      %dma_wait3A_509 = arith.constant 0 : i32
      %dma_wait3A_510 = arith.constant 0 : i32
      %dma_wait3A_511 = tpu.memref_slice %arg6[%dma_wait3A_500, %dma_wait3A_509, %dma_wait3A_510] : memref<4x16x1024xf32, #tpu.memory_space<vmem>> -> memref<1x16x1024xf32, #tpu.memory_space<vmem>>
      %dma_wait3A_512 = tpu.memref_squeeze %dma_wait3A_511 : memref<1x16x1024xf32, #tpu.memory_space<vmem>> -> memref<16x1024xf32, #tpu.memory_space<vmem>>
      tpu.wait_dma2 semaphore(%arg14 : memref<!tpu.dma_semaphore, #tpu.memory_space<semaphore_mem>>) src(%dma_wait3A_512 : memref<16x1024xf32, #tpu.memory_space<vmem>>) dst(%dma_wait3A_508 : memref<16x1024xf32, #tpu.memory_space<hbm>>)
    }
    %scan3A_7 = arith.constant 2 : i32
    return
  }
}

</mosaic_0001>

<sc_bundles>
// kernel: kernel.3.cloned.1.call-start
scs
__scs_entry_jumppad:
0x0: {  	(pc) =	sbr.rel $0x88, $3  }
0x1: {  	(tag) =	ssettag $0x0;
	lr =	simm.s32 $0x1  }
0x2: {  	[smem:$0x3F9F] =	sst lr;
	_ =	strace $0xD0000000  }
0x3: {  	_ = 	snop  }
0x4: {  	_ = 	snop  }
0x5: {  	_ = 	snop  }
0x6: {  	_ = 	snop  }
0x7: {  	_ = 	snop  }
__scs_overlays_trampoline_lowered:
0x8: {  	[smem:$0x3FAE] =	sst s0  }
0x9: {  	[smem:$0x3FAF] =	sst s1  }
0xa: {  	[smem:$0x3FB0] =	sst s2  }
0xb: {  	[smem:$0x3FB1] =	sst s3  }
0xc: {  	[smem:$0x3FB2] =	sst s4  }
0xd: {  	[smem:$0x3FB3] =	sst s5  }
0xe: {  	[smem:$0x3FB4] =	sst s6  }
0xf: {  	[smem:$0x3FB5] =	sst s7  }
0x10: {  	[smem:$0x3FB6] =	sst s8  }
0x11: {  	[smem:$0x3FB7] =	sst s9;
	s0 =	simm.s32 @!p0 $0x0  }
0x12: {  	s1 =	sld [smem:$0x3F9D];
	s0 =	simm.s32 @p0 $0x1  }
0x13: {  	[smem:$0x3FB8] =	sst s0;
	s0 =	simm.s32 @!p1 $0x0  }
0x14: {  	s2 =	sld [smem:$0x3F9C];
	s0 =	simm.s32 @p1 $0x1  }
0x15: {  	[smem:$0x3FB9] =	sst s0;
	s0 =	simm.s32 @!p2 $0x0  }
0x16: {  	s3 =	sld [smem:$0x3FDB];
	s0 =	simm.s32 @p2 $0x1  }
0x17: {  	s4 =	simm.s32 $0x1BF5;
	[smem:$0x3FBB] =	sst s0  }
0x18: {  	s0 =	sld [smem:$0x3F9E];
	_ =	swait.ge [sflag:s4], $0x0  }
0x19: {  	s7 =	sld [smem:$0x3F9F]  }
0x1a: {  	s8 =	sadd.s32 $0xFFFFE003, lr  }
0x1b: {  	s9 =	sadd.s32 $0xFFFFFEF7, lr;
	s5 =	simm.s32 $0xFFFFFFFF;
	p2 =	slt.u32 s8, $0xFFFFF086  }
0x1c: {  	p1 =	slt.u32 s9, $0xF7A;
	s5 =	simm.s32 @!p2 $0x0  }
0x1d: {  	s5 =	simm.s32 @p1 $0x1;
	p0 =	seq.s32 s7, s2  }
0x1e: {  	s7 =	smul.u32 @!p0 $0xF7A, s2;
	p2 =	seq.s32 @!p0 s5, $0x0  }
0x1f: {  	s9 =	smul.u32 $0xF7A, s1;
	s8 =	simm.s32 @!p0 $0x1BF5;
	p2 =	por !p2, p0  }
0x20: {  	[sflag:s8] =	ssyncset.s32 @!p0 $0xFFFFF086;
	s6 =	sadd.s32 @!p0 s3, s7;
	s7 =	simm.s32 @!p0 $0x108  }
0x21: {  	s3 =	sadd.s32 s3, s9;
	s6 =	sadd.s32 @!p0 $0x88, s6;
	s7 =	simm.s32 @p2 $0x1082  }
0x22: {  	[simem:s7], [sflag:s8] =	dma.local @!p0 [hbm:s6], $0xF7A  }
0x23: {  	s9 =	sor.u32 $0xD0000000, s2;
	s6 =	simm.s32 $0x108;
	_ =	swait.ge @!p0 [sflag:s8], $0x0  }
0x24: {  	s3 =	sadd.s32 $0x88, s3;
	s6 =	simm.s32 @!p1 $0x1082;
	[sflag:s4] =	ssyncset.s32 $0xFFFFF086  }
0x25: {  	[simem:s6], [sflag:s4] =	dma.local [hbm:s3], $0xF7A  }
0x26: {  	[smem:$0x3F9F] =	sst s1;
	(tag) =	ssettag s2;
	_ =	strace s9  }
0x27: {  	s1 =	sld [smem:$0x3FAF]  }
0x28: {  	s2 =	sld [smem:$0x3FB0]  }
0x29: {  	s4 =	sld [smem:$0x3FB2]  }
0x2a: {  	p0 =	seq.s32 s5, $0x0;
	s5 =	sld [smem:$0x3FB3]  }
0x2b: {  	s6 =	sld [smem:$0x3FB4]  }
0x2c: {  	s7 =	sld [smem:$0x3FB5]  }
0x2d: {  	s3 =	simm.s32 $0x108;
	s8 =	sld [smem:$0x3FB6]  }
0x2e: {  	s3 =	simm.s32 @!p0 $0x1082;
	s9 =	sld [smem:$0x3FB7]  }
0x2f: {  	lr =	sadd.s32 s0, s3;
	s0 =	sld [smem:$0x3FAE]  }
0x30: {  	s3 =	sld [smem:$0x3FB1]  }
0x31: {  	[smem:$0x3FBA] =	sst s10  }
0x32: {  	s10 =	sld [smem:$0x3FB8];
	_ =	sdelay $0x3  }
0x33: {  	p0 =	seq.s32 s10, $0x1;
	s10 =	sld [smem:$0x3FBA];
	_ =	sdelay $0x3  }
0x34: {  	[smem:$0x3FBA] =	sst s10  }
0x35: {  	s10 =	sld [smem:$0x3FB9];
	_ =	sdelay $0x3  }
0x36: {  	p1 =	seq.s32 s10, $0x1;
	s10 =	sld [smem:$0x3FBA];
	_ =	sdelay $0x3  }
0x37: {  	[smem:$0x3FBA] =	sst s10  }
0x38: {  	s10 =	sld [smem:$0x3FBB]  }
0x39: {  	_ = 	snop;
	(pc) =	sbr.ind lr, $3  }
0x3a: {  	_ = 	snop  }
0x3b: {  	_ = 	snop  }
0x3c: {  	p2 =	seq.s32 s10, $0x1;
	s10 =	sld [smem:$0x3FBA]  }
0x3d: {  	_ =	shalt  }
0x3e: {  	_ =	shalt  }
0x3f: {  	_ =	shalt  }
0x40: {  	_ =	shalt  }
0x41: {  	_ =	shalt  }
0x42: {  	_ =	shalt  }
0x43: {  	_ =	shalt  }
0x44: {  	_ =	shalt  }
0x45: {  	_ =	shalt  }
0x46: {  	_ =	shalt  }
0x47: {  	_ =	shalt  }
0x48: {  	_ =	shalt  }
0x49: {  	_ =	shalt  }
0x4a: {  	_ =	shalt  }
0x4b: {  	_ =	shalt  }
0x4c: {  	_ =	shalt  }
0x4d: {  	_ =	shalt  }
0x4e: {  	_ =	shalt  }
0x4f: {  	_ =	shalt  }
0x50: {  	_ =	shalt  }
0x51: {  	_ =	shalt  }
0x52: {  	_ =	shalt  }
0x53: {  	_ =	shalt  }
0x54: {  	_ =	shalt  }
0x55: {  	_ =	shalt  }
0x56: {  	_ =	shalt  }
0x57: {  	_ =	shalt  }
0x58: {  	_ =	shalt  }
0x59: {  	_ =	shalt  }
0x5a: {  	_ =	shalt  }
0x5b: {  	_ =	shalt  }
0x5c: {  	_ =	shalt  }
0x5d: {  	_ =	shalt  }
0x5e: {  	_ =	shalt  }
0x5f: {  	_ =	shalt  }
0x60: {  	_ =	shalt  }
0x61: {  	_ =	shalt  }
0x62: {  	_ =	shalt  }
0x63: {  	_ =	shalt  }
0x64: {  	_ =	shalt  }
0x65: {  	_ =	shalt  }
0x66: {  	_ =	shalt  }
0x67: {  	_ =	shalt  }
0x68: {  	_ =	shalt  }
0x69: {  	_ =	shalt  }
0x6a: {  	_ =	shalt  }
0x6b: {  	_ =	shalt  }
0x6c: {  	_ =	shalt  }
0x6d: {  	_ =	shalt  }
0x6e: {  	_ =	shalt  }
0x6f: {  	_ =	shalt  }
0x70: {  	_ =	shalt  }
0x71: {  	_ =	shalt  }
0x72: {  	_ =	shalt  }
0x73: {  	_ =	shalt  }
0x74: {  	_ =	shalt  }
0x75: {  	_ =	shalt  }
0x76: {  	_ =	shalt  }
0x77: {  	_ =	shalt  }
0x78: {  	_ =	shalt  }
0x79: {  	_ =	shalt  }
0x7a: {  	_ =	shalt  }
0x7b: {  	_ =	shalt  }
0x7c: {  	_ =	shalt  }
0x7d: {  	_ =	shalt  }
0x7e: {  	_ =	shalt  }
0x7f: {  	_ =	shalt  }
0x80: {  	_ =	shalt  }
0x81: {  	_ =	shalt  }
0x82: {  	_ =	shalt  }
0x83: {  	_ =	shalt  }
0x84: {  	_ =	shalt  }
0x85: {  	_ =	shalt  }
0x86: {  	_ =	shalt  }
0x87: {  	_ =	shalt  }
.Lfunc_end0:
.L_simem_size_0:
called_computation_lowered:
.L_overlay_start_0:
0x88: {  	s2 =	sld [smem:$0x3FD9]  }
0x89: {  	s3 =	sld [smem:$0x3FFE];
	_ =	sdelay $0x1  }
0x8a: {  	s1 =	srdreg.scid  }
0x8b: {  	s0 =	sand.u32 $0x1, s1  }
0x8c: {  	s18 =	sshll.u32 s0, $0xA;
	s2 =	sadd.s32 s3, s2  }
0x8d: {  	s2 =	sadd.s32 s2, s18  }
0x8e: {  	[smem:$0x3FC6] =	sst s2  }
0x8f: {  	_ = 	snop  }
0x90: {  	s2 =	sld [smem:$0x3FC9]  }
0x91: {  	s19 =	sld [smem:$0x3FC8]  }
0x92: {  	s4 =	sld [smem:$0x3FD0];
	(tm) =	ssettm $0x1  }
0x93: {  	s5 =	sld [smem:$0x3FFB];
	_ =	sdelay $0x3  }
0x94: {  	_ =	strace s5  }
0x95: {  	s5 =	sld [smem:$0x3FFC];
	_ =	sdelay $0x3  }
0x96: {  	_ =	strace s5  }
0x97: {  	s5 =	sld [smem:$0x3FFD];
	_ =	sdelay $0x3  }
0x98: {  	_ =	strace s5  }
0x99: {  	_ =	strace $0x8FFFFFFF  }
0x9a: {  	s20 =	sld [smem:$0x3FDB];
	_ =	sdelay $0x1  }
0x9b: {  	s6 =	simm.s32 $_scs_section_size  }
0x9c: {  	s7 =	simm.s32 $_size__tile_overlayer_lowered;
	s8 =	simm.s32 $_tile_overlayer_lowered  }
0x9d: {  	s23 =	simm.s32 $0x1BFF;
	s22 =	sshll.u32 s8, $0x1;
	s5 =	sadd.s32 s6, s20  }
0x9e: {  	s9 =	simm.s32 $0x0;
	s21 =	sshll.u32 s7, $0x1;
	s7 =	sadd.s32 s22, s5  }
0x9f: {  	[timem:s9], [sflag:s23] =	dma.local [hbm:s7], s21  }
0xa0: {  	_ =	swait.ge [sflag:s23], s21  }
0xa1: {  	s6 =	ssub.s32 $0x0, s21;
	[sflag:s23] =	ssyncset.done $0x0  }
0xa2: {  	[sflag:s23] =	ssyncadd.s32 s6;
	_ =	sdelay $0x1  }
0xa3: {  	s24 =	simm.s32 $0x1B8B  }
0xa4: {  	_ =	swait.ge [sflag:s24], $0x1  }
0xa5: {  	[sflag:s24] =	ssyncset.done $0x0  }
0xa6: {  	s25 =	simm.s32 $0x1B8E;
	[sflag:s24] =	ssyncadd.s32 $0xFFFFFFFF  }
0xa7: {  	s26 =	simm.s32 $execute0_lowered;
	[smem:$0x3FD2] =	sst s25  }
0xa8: {  	s6 =	sshll.u32 s26, $0x1;
	_ =	strace $0x80000046;
	[dreg:$0x1] =	wrdreg $0xFFFFFFFF  }
0xa9: {  	s28 =	simm.s32 $_size_execute0_lowered;
	s5 =	sadd.s32 s5, s6;
	[dreg:$0x0] =	wrdreg $0x0  }
0xaa: {  	s6 =	sshll.u32 s28, $0x1;
	[dreg:$0x2] =	wrdreg s5  }
0xab: {  	[dreg:$0x3] =	wrdreg s6  }
0xac: {  	[dreg:$0x4] =	wrdreg $0xC0  }
0xad: {  	_ =	task [dreg:s9], $0x5FFFF  }
0xae: {  	[dreg:$0x1] =	wrdreg $0xFFFFFFFF  }
0xaf: {  	[dreg:$0x0] =	wrdreg $0x60  }
0xb0: {  	[dreg:$0x2] =	wrdreg s2  }
0xb1: {  	[dreg:$0x3] =	wrdreg s19  }
0xb2: {  	[dreg:$0x4] =	wrdreg s4  }
0xb3: {  	[dreg:$0x5] =	wrdreg $0x9  }
0xb4: {  	_ =	task.clear_ibuf [dreg:s9], $0x6FFFF;
	_ =	strace $0x90000046  }
0xb5: {  	s29 =	simm.s32 $0x9;
	_ =	strace $0x80000048  }
0xb6: {  	_ =	swait.ge [sflag:s29], $0x1  }
0xb7: {  	[sflag:s29] =	ssyncadd.s32 $0xFFFFFFFF  }
0xb8: {  	_ =	strace $0x90000048  }
0xb9: {  	_ =	sfence  }
0xba: {  	s30 =	sld [smem:$0x0];
	_ =	sdelay $0x2  }
0xbb: {  	s31 =	sshll.u32 s1, $0xD;
	s1 =	sshrl.u32 s1, $0x2  }
0xbc: {  	s3 =	sand.u32 $0x4000, s31;
	s1 =	sadd.s32 s1, s30  }
0xbd: {  	s0 =	sor.u32 s3, s0;
	s1 =	sshll.u32 s1, $0x11  }
0xbe: {  	s0 =	sor.u32 s1, s0  }
0xbf: {  	s0 =	sadd.s32 $0x8F2B, s0  }
0xc0: {  	[sflag:s0] =	ssyncadd.remote.s32 $0x1  }
0xc1: {  	_ =	sfence.sel $0xFFFF  }
0xc2: {  	[dreg:$0x0] =	wrdreg $0xFFFFFFFF;
	(pc) =	sbr.abs _section_cstart, $3  }
0xc3: {  	[dreg:$0x1] =	wrdreg $0xFFFFFFFF  }
0xc4: {  	_ =	task.clear_ibuf [dreg:s9], $0x2FFFF;
	_ =	strace $0x9FFFFFFF  }
0xc5: {  	(tm) =	ssettm $0x7FFFFFFF  }
tec
execute0_lowered:
.L_overlay_start_1:
0x0: {  	(tag) =	ssettag $0x1  }
0x1: {  	s1 =	rddreg [dreg:$0x0]  }
0x2: {  	s3 =	rddreg [dreg:$0x2];
	s0 =	srdreg.scid  }
0x3: {  	s2 =	simm.s32 $0x0;
	s30 =	stileid.u32;
	s8 =	simm.s32 $0x8000  }
0x4: {  	s9 =	simm.s32 $0xC000;
	s10 =	simm.s32 $0x9;
	s11 =	simm.s32 $0x10000  }
0x5: {  	s12 =	simm.s32 $0x1;
	s13 =	simm.s32 $0x14000;
	s14 =	simm.s32 $0x2  }
0x6: {  	s15 =	simm.s32 $0x5;
	s16 =	simm.s32 $0x3;
	s0 =	sand.u32 $0x1, s0  }
0x7: {  	s17 =	simm.s32 $0x6;
	s18 =	simm.s32 $0x4;
	s4 =	ssub.s32 $0x2, s0  }
0x8: {  	s19 =	simm.s32 $0x7;
	s20 =	simm.s32 $0x8;
	s6 =	sshrl.u32 s4, $0x1  }
0x9: {  	[smem:$0x7FF] =	sst s2;
	s7 =	sshll.u32 s30, $0xE;
	s4 =	ssub.s32 s4, s6  }
0xa: {  	s2 =	simm.s32 $0x0;
	s0 =	sshll.u32 s0, $0xD;
	s31 =	smax.u32 s4, $0x1  }
0xb: {  	_ =	strace $0x80000047;
	s6 =	sor.u32 s0, s7;
	[dreg:$0x4] =	wrdreg s31  }
.LBB2_1:
0xc: {  	[dreg:$0x5] =	wrdreg s2;
	p1 =	por $0x1, $0x1;
	s0 =	simm.s32 $0x0  }
.LBB2_2:
0xd: {  	s22 =	sor.u32 s6, s0  }
0xe: {  	s25 =	simm.s32 $0x0;
	s0 =	sadd.s32 s1, s22;
	s23 =	sor.u32 $0x800, s22  }
0xf: {  	[tilespmem:s8], [sflag:$0x1] =	stream.linear.gather [hbm4b:s0+s25], $0x4000, $0x38;
	[tilespmem:$0x18000] =	vst v63  }
0x10: {  	s5 =	rddreg [dreg:$0x1];
	s4 =	sadd.s32 s1, s23  }
0x11: {  	[tilespmem:s9], [sflag:$0x2] =	stream.linear.gather [hbm4b:s4+s25], $0x4000, $0x38;
	[tilespmem:$0x18000] =	vst v63  }
0x12: {  	s0 =	sadd.s32 s5, s22  }
0x13: {  	[tilespmem:s25], [sflag:$0x9] =	stream.linear.gather [hbm4b:s0+s25], $0x8000, $0x38;
	[tilespmem:$0x18000] =	vst v63  }
0x14: {  	_ =	swait.ge [sflag:s10], $0x8000  }
0x15: {  	s21 =	simm.s32 $0x0;
	s24 =	sor.u32 $0x40000, s22;
	[sflag:s10] =	ssyncset.done $0x0  }
0x16: {  	s26 =	simm.s32 $0x0;
	s7 =	sadd.s32 s1, s24;
	[sflag:s10] =	ssyncadd.s32 $0xFFFF8000  }
0x17: {  	[tilespmem:s11], [sflag:$0x3] =	stream.linear.gather [hbm4b:s7+s25], $0x4000, $0x38;
	[tilespmem:$0x18000] =	vst v63  }
0x18: {  	s4 =	sand.u32 $0x1C00, s25;
	s0 =	sand.u32 $0x2000, s21;
	_ =	swait.ge [sflag:s12], $0x4000  }
0x19: {  	s26 =	sand.u32 $0x380, s26;
	s0 =	sor.u32 s4, s0;
	[sflag:s12] =	ssyncset.done $0x0  }
0x1a: {  	s4 =	sor.u32 s26, s0;
	[sflag:s12] =	ssyncadd.s32 $0xFFFFC000  }
0x1b: {  	v0 =	vld [tilespmem:s4+$0x70]  }
0x1c: {  	v5 =	vld [tilespmem:s4+$0x0]  }
0x1d: {  	v6 =	vld [tilespmem:s4+$0x10]  }
0x1e: {  	v4 =	vld [tilespmem:s4+$0x20]  }
0x1f: {  	v1 =	vld [tilespmem:s4+$0x30]  }
0x20: {  	v3 =	vld [tilespmem:s4+$0x40]  }
0x21: {  	s0 =	sor.u32 $0x8070, s4;
	v2 =	vld [tilespmem:s4+$0x60]  }
0x22: {  	[tilespmem:s0+$0x0] =	vst.add.f32.msk $0xffff, v0  }
0x23: {  	p0 =	por p1, p1;
	s26 =	simm.s32 $0x0;
	s28 =	sor.u32 $0x8000, s4;
	v0 =	vld [tilespmem:s4+$0x50]  }
0x24: {  	s31 =	sor.u32 $0x8020, s4;
	s30 =	sor.u32 $0x8040, s4;
	s7 =	sor.u32 $0x8010, s4;
	[tilespmem:s28+$0x0] =	vst.add.f32.msk $0xffff, v5  }
0x25: {  	s29 =	sor.u32 $0x8060, s4;
	s0 =	sor.u32 $0x8030, s4;
	s28 =	sor.u32 $0x8050, s4;
	[tilespmem:s7+$0x0] =	vst.add.f32.msk $0xffff, v6  }
.LBB2_3:
0x26: {  	s26 =	sadd.s32 $0x8, s26;
	[tilespmem:s31+$0x0] =	vst.add.f32.msk $0xffff, v4  }
0x27: {  	s25 =	sadd.s32 $0x400, s25;
	s4 =	sshll.u32 s26, $0x4;
	p1 =	slt.u32 s26, $0x3F8;
	[tilespmem:s0+$0x0] =	vst.add.f32.msk $0xffff, v1  }
0x28: {  	s7 =	sshll.u32 s26, $0x1;
	s0 =	sand.u32 $0x2000, s4;
	s4 =	sand.u32 $0x1C00, s25;
	[tilespmem:s30+$0x0] =	vst.add.f32.msk $0xffff, v3  }
0x29: {  	s0 =	sor.u32 s4, s0;
	s4 =	sand.u32 $0x380, s7;
	[tilespmem:s28+$0x0] =	vst.add.f32.msk $0xffff, v0  }
0x2a: {  	s4 =	sor.u32 s4, s0;
	[tilespmem:s29+$0x0] =	vst.add.f32.msk $0xffff, v2  }
0x2b: {  	s7 =	sor.u32 $0x8000, s4;
	s21 =	sor.u32 $0x8010, s4;
	s31 =	sor.u32 $0x8020, s4;
	v0 =	vld [tilespmem:s4+$0x70]  }
0x2c: {  	s0 =	sor.u32 $0x8030, s4;
	s30 =	sor.u32 $0x8040, s4;
	s28 =	sor.u32 $0x8050, s4;
	v5 =	vld [tilespmem:s4+$0x0]  }
0x2d: {  	s29 =	sor.u32 $0x8060, s4;
	v6 =	vld [tilespmem:s4+$0x10]  }
0x2e: {  	v4 =	vld [tilespmem:s4+$0x20]  }
0x2f: {  	s2 =	sor.u32 $0x8070, s4;
	v1 =	vld [tilespmem:s4+$0x30]  }
0x30: {  	[tilespmem:s2+$0x0] =	vst.add.f32.msk $0xffff, v0  }
.Ltmp0:
0x31: {  	v3 =	vld [tilespmem:s4+$0x40];
	(pc) =	sbr.rel @p1 .LBB2_3-.Ltmp0, $4  }
0x32: {  	v0 =	vld [tilespmem:s4+$0x50]  }
0x33: {  	v2 =	vld [tilespmem:s4+$0x60]  }
0x34: {  	[tilespmem:s7+$0x0] =	vst.add.f32.msk $0xffff, v5  }
0x35: {  	[tilespmem:s21+$0x0] =	vst.add.f32.msk $0xffff, v6  }
0x36: {  	[tilespmem:s31+$0x0] =	vst.add.f32.msk $0xffff, v4  }
0x37: {  	[tilespmem:s0+$0x0] =	vst.add.f32.msk $0xffff, v1  }
0x38: {  	[tilespmem:s30+$0x0] =	vst.add.f32.msk $0xffff, v3  }
0x39: {  	[tilespmem:s28+$0x0] =	vst.add.f32.msk $0xffff, v0  }
0x3a: {  	s5 =	sadd.s32 s3, s22;
	s26 =	simm.s32 $0x0;
	s25 =	sor.u32 $0x40800, s22;
	[tilespmem:s29+$0x0] =	vst.add.f32.msk $0xffff, v2  }
0x3b: {  	[hbm4b:s5+s26] =	stream.linear.scatter [tilespmem:s8], [sflag:$0x5], $0x4000, $0x38;
	[tilespmem:$0x18000] =	vst v63  }
0x3c: {  	s21 =	simm.s32 $0x0;
	s2 =	simm.s32 $0x0;
	s7 =	sadd.s32 s1, s25  }
0x3d: {  	[tilespmem:s13], [sflag:$0x4] =	stream.linear.gather [hbm4b:s7+s26], $0x4000, $0x38;
	[tilespmem:$0x18000] =	vst v63  }
0x3e: {  	s0 =	sand.u32 $0x2000, s21;
	s2 =	sand.u32 $0x380, s2;
	_ =	swait.ge [sflag:s14], $0x4000  }
0x3f: {  	s4 =	sand.u32 $0x1C00, s26;
	s0 =	sor.u32 s2, s0;
	[sflag:s14] =	ssyncset.done $0x0  }
0x40: {  	s2 =	sor.u32 s4, s0;
	[sflag:s14] =	ssyncadd.s32 $0xFFFFC000  }
0x41: {  	v1 =	vld [tilespmem:s2+$0x4070]  }
0x42: {  	v5 =	vld [tilespmem:s2+$0x4000]  }
0x43: {  	v6 =	vld [tilespmem:s2+$0x4010]  }
0x44: {  	v3 =	vld [tilespmem:s2+$0x4020]  }
0x45: {  	v0 =	vld [tilespmem:s2+$0x4030]  }
0x46: {  	v4 =	vld [tilespmem:s2+$0x4040]  }
0x47: {  	s0 =	sor.u32 $0xC070, s2;
	v2 =	vld [tilespmem:s2+$0x4060]  }
0x48: {  	[tilespmem:s0+$0x0] =	vst.add.f32.msk $0xffff, v1  }
0x49: {  	s28 =	simm.s32 $0x0;
	s7 =	sor.u32 $0xC000, s2;
	v1 =	vld [tilespmem:s2+$0x4050]  }
0x4a: {  	s21 =	sor.u32 $0xC010, s2;
	s4 =	sor.u32 $0xC020, s2;
	s31 =	sor.u32 $0xC040, s2;
	[tilespmem:s7+$0x0] =	vst.add.f32.msk $0xffff, v5  }
0x4b: {  	s29 =	sor.u32 $0xC050, s2;
	s30 =	sor.u32 $0xC060, s2;
	s0 =	sor.u32 $0xC030, s2;
	[tilespmem:s21+$0x0] =	vst.add.f32.msk $0xffff, v6  }
.LBB2_5:
0x4c: {  	s28 =	sadd.s32 $0x8, s28;
	[tilespmem:s4+$0x0] =	vst.add.f32.msk $0xffff, v3  }
0x4d: {  	s2 =	sshll.u32 s28, $0x4;
	s4 =	sshll.u32 s28, $0x1;
	p1 =	slt.u32 s28, $0x3F8;
	[tilespmem:s0+$0x0] =	vst.add.f32.msk $0xffff, v0  }
0x4e: {  	s26 =	sadd.s32 $0x400, s26;
	s0 =	sand.u32 $0x2000, s2;
	s2 =	sand.u32 $0x380, s4;
	[tilespmem:s31+$0x0] =	vst.add.f32.msk $0xffff, v4  }
0x4f: {  	s4 =	sand.u32 $0x1C00, s26;
	s0 =	sor.u32 s2, s0;
	[tilespmem:s29+$0x0] =	vst.add.f32.msk $0xffff, v1  }
0x50: {  	s2 =	sor.u32 s4, s0;
	[tilespmem:s30+$0x0] =	vst.add.f32.msk $0xffff, v2  }
0x51: {  	s7 =	sor.u32 $0xC000, s2;
	s21 =	sor.u32 $0xC010, s2;
	s4 =	sor.u32 $0xC020, s2;
	v1 =	vld [tilespmem:s2+$0x4070]  }
0x52: {  	s0 =	sor.u32 $0xC030, s2;
	s31 =	sor.u32 $0xC040, s2;
	s29 =	sor.u32 $0xC050, s2;
	v5 =	vld [tilespmem:s2+$0x4000]  }
0x53: {  	s30 =	sor.u32 $0xC060, s2;
	v6 =	vld [tilespmem:s2+$0x4010]  }
0x54: {  	v3 =	vld [tilespmem:s2+$0x4020]  }
0x55: {  	s5 =	sor.u32 $0xC070, s2;
	v0 =	vld [tilespmem:s2+$0x4030]  }
0x56: {  	[tilespmem:s5+$0x0] =	vst.add.f32.msk $0xffff, v1  }
.Ltmp1:
0x57: {  	v4 =	vld [tilespmem:s2+$0x4040];
	(pc) =	sbr.rel @p1 .LBB2_5-.Ltmp1, $4  }
0x58: {  	v1 =	vld [tilespmem:s2+$0x4050]  }
0x59: {  	v2 =	vld [tilespmem:s2+$0x4060]  }
0x5a: {  	[tilespmem:s7+$0x0] =	vst.add.f32.msk $0xffff, v5  }
0x5b: {  	[tilespmem:s21+$0x0] =	vst.add.f32.msk $0xffff, v6  }
0x5c: {  	[tilespmem:s4+$0x0] =	vst.add.f32.msk $0xffff, v3  }
0x5d: {  	[tilespmem:s0+$0x0] =	vst.add.f32.msk $0xffff, v0  }
0x5e: {  	[tilespmem:s31+$0x0] =	vst.add.f32.msk $0xffff, v4  }
0x5f: {  	[tilespmem:s29+$0x0] =	vst.add.f32.msk $0xffff, v1  }
0x60: {  	s4 =	sadd.s32 s3, s23;
	s26 =	simm.s32 $0x0;
	[tilespmem:s30+$0x0] =	vst.add.f32.msk $0xffff, v2  }
0x61: {  	[hbm4b:s4+s26] =	stream.linear.scatter [tilespmem:s9], [sflag:$0x6], $0x4000, $0x38;
	[tilespmem:$0x18000] =	vst v63  }
0x62: {  	_ =	swait.ge [sflag:s15], $0x4000  }
0x63: {  	s23 =	sor.u32 $0x80000, s22;
	s7 =	simm.s32 $0x0;
	[sflag:s15] =	ssyncset.done $0x0  }
0x64: {  	s21 =	simm.s32 $0x0;
	s5 =	sadd.s32 s1, s23;
	[sflag:s15] =	ssyncadd.s32 $0xFFFFC000  }
0x65: {  	[tilespmem:s8], [sflag:$0x1] =	stream.linear.gather [hbm4b:s5+s26], $0x4000, $0x38;
	[tilespmem:$0x18000] =	vst v63  }
0x66: {  	s0 =	sand.u32 $0x2000, s7;
	s2 =	sand.u32 $0x1C00, s26;
	_ =	swait.ge [sflag:s16], $0x4000  }
0x67: {  	s0 =	sor.u32 s2, s0;
	s4 =	sand.u32 $0x380, s21;
	[sflag:s16] =	ssyncset.done $0x0  }
0x68: {  	s2 =	sor.u32 s4, s0;
	[sflag:s16] =	ssyncadd.s32 $0xFFFFC000  }
0x69: {  	v0 =	vld [tilespmem:s2+$0x70]  }
0x6a: {  	v5 =	vld [tilespmem:s2+$0x0]  }
0x6b: {  	v6 =	vld [tilespmem:s2+$0x10]  }
0x6c: {  	v4 =	vld [tilespmem:s2+$0x20]  }
0x6d: {  	v1 =	vld [tilespmem:s2+$0x30]  }
0x6e: {  	v3 =	vld [tilespmem:s2+$0x40]  }
0x6f: {  	s0 =	sor.u32 $0x10070, s2;
	v2 =	vld [tilespmem:s2+$0x60]  }
0x70: {  	[tilespmem:s0+$0x0] =	vst.add.f32.msk $0xffff, v0  }
0x71: {  	s28 =	simm.s32 $0x0;
	s5 =	sor.u32 $0x10000, s2;
	v0 =	vld [tilespmem:s2+$0x50]  }
0x72: {  	s7 =	sor.u32 $0x10010, s2;
	s4 =	sor.u32 $0x10030, s2;
	s31 =	sor.u32 $0x10040, s2;
	[tilespmem:s5+$0x0] =	vst.add.f32.msk $0xffff, v5  }
0x73: {  	s29 =	sor.u32 $0x10050, s2;
	s30 =	sor.u32 $0x10060, s2;
	s0 =	sor.u32 $0x10020, s2;
	[tilespmem:s7+$0x0] =	vst.add.f32.msk $0xffff, v6  }
.LBB2_7:
0x74: {  	s28 =	sadd.s32 $0x8, s28;
	[tilespmem:s0+$0x0] =	vst.add.f32.msk $0xffff, v4  }
0x75: {  	s26 =	sadd.s32 $0x400, s26;
	s0 =	sshll.u32 s28, $0x4;
	p1 =	slt.u32 s28, $0x3F8;
	[tilespmem:s4+$0x0] =	vst.add.f32.msk $0xffff, v1  }
0x76: {  	s2 =	sand.u32 $0x1C00, s26;
	s4 =	sshll.u32 s28, $0x1;
	s0 =	sand.u32 $0x2000, s0;
	[tilespmem:s31+$0x0] =	vst.add.f32.msk $0xffff, v3  }
0x77: {  	s4 =	sand.u32 $0x380, s4;
	s0 =	sor.u32 s2, s0;
	[tilespmem:s29+$0x0] =	vst.add.f32.msk $0xffff, v0  }
0x78: {  	s2 =	sor.u32 s4, s0;
	[tilespmem:s30+$0x0] =	vst.add.f32.msk $0xffff, v2  }
0x79: {  	s5 =	sor.u32 $0x10000, s2;
	s7 =	sor.u32 $0x10010, s2;
	s0 =	sor.u32 $0x10020, s2;
	v0 =	vld [tilespmem:s2+$0x70]  }
0x7a: {  	s4 =	sor.u32 $0x10030, s2;
	s31 =	sor.u32 $0x10040, s2;
	s29 =	sor.u32 $0x10050, s2;
	v5 =	vld [tilespmem:s2+$0x0]  }
0x7b: {  	s30 =	sor.u32 $0x10060, s2;
	v6 =	vld [tilespmem:s2+$0x10]  }
0x7c: {  	v4 =	vld [tilespmem:s2+$0x20]  }
0x7d: {  	s21 =	sor.u32 $0x10070, s2;
	v1 =	vld [tilespmem:s2+$0x30]  }
0x7e: {  	[tilespmem:s21+$0x0] =	vst.add.f32.msk $0xffff, v0  }
.Ltmp2:
0x7f: {  	v3 =	vld [tilespmem:s2+$0x40];
	(pc) =	sbr.rel @p1 .LBB2_7-.Ltmp2, $4  }
0x80: {  	v0 =	vld [tilespmem:s2+$0x50]  }
0x81: {  	v2 =	vld [tilespmem:s2+$0x60]  }
0x82: {  	[tilespmem:s5+$0x0] =	vst.add.f32.msk $0xffff, v5  }
0x83: {  	[tilespmem:s7+$0x0] =	vst.add.f32.msk $0xffff, v6  }
0x84: {  	[tilespmem:s0+$0x0] =	vst.add.f32.msk $0xffff, v4  }
0x85: {  	[tilespmem:s4+$0x0] =	vst.add.f32.msk $0xffff, v1  }
0x86: {  	[tilespmem:s31+$0x0] =	vst.add.f32.msk $0xffff, v3  }
0x87: {  	[tilespmem:s29+$0x0] =	vst.add.f32.msk $0xffff, v0  }
0x88: {  	s4 =	sadd.s32 s3, s24;
	s26 =	simm.s32 $0x0;
	[tilespmem:s30+$0x0] =	vst.add.f32.msk $0xffff, v2  }
0x89: {  	[hbm4b:s4+s26] =	stream.linear.scatter [tilespmem:s11], [sflag:$0x7], $0x4000, $0x38;
	[tilespmem:$0x18000] =	vst v63  }
0x8a: {  	_ =	swait.ge [sflag:s17], $0x4000  }
0x8b: {  	s24 =	sor.u32 $0x80800, s22;
	s7 =	simm.s32 $0x0;
	[sflag:s17] =	ssyncset.done $0x0  }
0x8c: {  	s2 =	simm.s32 $0x0;
	s5 =	sadd.s32 s1, s24;
	[sflag:s17] =	ssyncadd.s32 $0xFFFFC000  }
0x8d: {  	[tilespmem:s9], [sflag:$0x2] =	stream.linear.gather [hbm4b:s5+s26], $0x4000, $0x38;
	[tilespmem:$0x18000] =	vst v63  }
0x8e: {  	s0 =	sand.u32 $0x2000, s7;
	s2 =	sand.u32 $0x380, s2;
	_ =	swait.ge [sflag:s18], $0x4000  }
0x8f: {  	s21 =	sand.u32 $0x1C00, s26;
	s0 =	sor.u32 s2, s0;
	[sflag:s18] =	ssyncset.done $0x0  }
0x90: {  	s2 =	sor.u32 s21, s0;
	[sflag:s18] =	ssyncadd.s32 $0xFFFFC000  }
0x91: {  	v1 =	vld [tilespmem:s2+$0x4070]  }
0x92: {  	v5 =	vld [tilespmem:s2+$0x4000]  }
0x93: {  	v6 =	vld [tilespmem:s2+$0x4010]  }
0x94: {  	v3 =	vld [tilespmem:s2+$0x4020]  }
0x95: {  	v0 =	vld [tilespmem:s2+$0x4030]  }
0x96: {  	v4 =	vld [tilespmem:s2+$0x4040]  }
0x97: {  	s0 =	sor.u32 $0x14070, s2;
	v2 =	vld [tilespmem:s2+$0x4060]  }
0x98: {  	[tilespmem:s0+$0x0] =	vst.add.f32.msk $0xffff, v1  }
0x99: {  	s28 =	simm.s32 $0x0;
	s5 =	sor.u32 $0x14000, s2;
	v1 =	vld [tilespmem:s2+$0x4050]  }
0x9a: {  	s7 =	sor.u32 $0x14010, s2;
	s4 =	sor.u32 $0x14020, s2;
	s31 =	sor.u32 $0x14040, s2;
	[tilespmem:s5+$0x0] =	vst.add.f32.msk $0xffff, v5  }
0x9b: {  	s29 =	sor.u32 $0x14050, s2;
	s30 =	sor.u32 $0x14060, s2;
	s0 =	sor.u32 $0x14030, s2;
	[tilespmem:s7+$0x0] =	vst.add.f32.msk $0xffff, v6  }
.LBB2_9:
0x9c: {  	s28 =	sadd.s32 $0x8, s28;
	[tilespmem:s4+$0x0] =	vst.add.f32.msk $0xffff, v3  }
0x9d: {  	s2 =	sshll.u32 s28, $0x4;
	s4 =	sshll.u32 s28, $0x1;
	p1 =	slt.u32 s28, $0x3F8;
	[tilespmem:s0+$0x0] =	vst.add.f32.msk $0xffff, v0  }
0x9e: {  	s26 =	sadd.s32 $0x400, s26;
	s0 =	sand.u32 $0x2000, s2;
	s2 =	sand.u32 $0x380, s4;
	[tilespmem:s31+$0x0] =	vst.add.f32.msk $0xffff, v4  }
0x9f: {  	s4 =	sand.u32 $0x1C00, s26;
	s0 =	sor.u32 s2, s0;
	[tilespmem:s29+$0x0] =	vst.add.f32.msk $0xffff, v1  }
0xa0: {  	s2 =	sor.u32 s4, s0;
	[tilespmem:s30+$0x0] =	vst.add.f32.msk $0xffff, v2  }
0xa1: {  	s5 =	sor.u32 $0x14000, s2;
	s7 =	sor.u32 $0x14010, s2;
	s4 =	sor.u32 $0x14020, s2;
	v1 =	vld [tilespmem:s2+$0x4070]  }
0xa2: {  	s0 =	sor.u32 $0x14030, s2;
	s31 =	sor.u32 $0x14040, s2;
	s29 =	sor.u32 $0x14050, s2;
	v5 =	vld [tilespmem:s2+$0x4000]  }
0xa3: {  	s30 =	sor.u32 $0x14060, s2;
	v6 =	vld [tilespmem:s2+$0x4010]  }
0xa4: {  	v3 =	vld [tilespmem:s2+$0x4020]  }
0xa5: {  	s21 =	sor.u32 $0x14070, s2;
	v0 =	vld [tilespmem:s2+$0x4030]  }
0xa6: {  	[tilespmem:s21+$0x0] =	vst.add.f32.msk $0xffff, v1  }
.Ltmp3:
0xa7: {  	v4 =	vld [tilespmem:s2+$0x4040];
	(pc) =	sbr.rel @p1 .LBB2_9-.Ltmp3, $4  }
0xa8: {  	v1 =	vld [tilespmem:s2+$0x4050]  }
0xa9: {  	v2 =	vld [tilespmem:s2+$0x4060]  }
0xaa: {  	[tilespmem:s5+$0x0] =	vst.add.f32.msk $0xffff, v5  }
0xab: {  	[tilespmem:s7+$0x0] =	vst.add.f32.msk $0xffff, v6  }
0xac: {  	[tilespmem:s4+$0x0] =	vst.add.f32.msk $0xffff, v3  }
0xad: {  	[tilespmem:s0+$0x0] =	vst.add.f32.msk $0xffff, v0  }
0xae: {  	[tilespmem:s31+$0x0] =	vst.add.f32.msk $0xffff, v4  }
0xaf: {  	[tilespmem:s29+$0x0] =	vst.add.f32.msk $0xffff, v1  }
0xb0: {  	s2 =	sadd.s32 s3, s25;
	s26 =	simm.s32 $0x0;
	[tilespmem:s30+$0x0] =	vst.add.f32.msk $0xffff, v2  }
0xb1: {  	[hbm4b:s2+s26] =	stream.linear.scatter [tilespmem:s13], [sflag:$0x8], $0x4000, $0x38;
	[tilespmem:$0x18000] =	vst v63  }
0xb2: {  	_ =	swait.ge [sflag:s19], $0x4000  }
0xb3: {  	s25 =	sor.u32 $0xC0000, s22;
	s5 =	simm.s32 $0x0;
	[sflag:s19] =	ssyncset.done $0x0  }
0xb4: {  	s7 =	simm.s32 $0x0;
	s4 =	sadd.s32 s1, s25;
	[sflag:s19] =	ssyncadd.s32 $0xFFFFC000  }
0xb5: {  	[tilespmem:s11], [sflag:$0x3] =	stream.linear.gather [hbm4b:s4+s26], $0x4000, $0x38;
	[tilespmem:$0x18000] =	vst v63  }
0xb6: {  	s0 =	sand.u32 $0x2000, s5;
	s2 =	sand.u32 $0x1C00, s26;
	_ =	swait.ge [sflag:s12], $0x4000  }
0xb7: {  	s21 =	sand.u32 $0x380, s7;
	s0 =	sor.u32 s2, s0;
	[sflag:s12] =	ssyncset.done $0x0  }
0xb8: {  	s2 =	sor.u32 s21, s0;
	[sflag:s12] =	ssyncadd.s32 $0xFFFFC000  }
0xb9: {  	v0 =	vld [tilespmem:s2+$0x70]  }
0xba: {  	v5 =	vld [tilespmem:s2+$0x0]  }
0xbb: {  	v6 =	vld [tilespmem:s2+$0x10]  }
0xbc: {  	v4 =	vld [tilespmem:s2+$0x20]  }
0xbd: {  	v1 =	vld [tilespmem:s2+$0x30]  }
0xbe: {  	v3 =	vld [tilespmem:s2+$0x40]  }
0xbf: {  	s0 =	sor.u32 $0x8070, s2;
	v2 =	vld [tilespmem:s2+$0x60]  }
0xc0: {  	[tilespmem:s0+$0x0] =	vst.add.f32.msk $0xffff, v0  }
0xc1: {  	s28 =	simm.s32 $0x0;
	s5 =	sor.u32 $0x8000, s2;
	v0 =	vld [tilespmem:s2+$0x50]  }
0xc2: {  	s7 =	sor.u32 $0x8010, s2;
	s31 =	sor.u32 $0x8040, s2;
	s29 =	sor.u32 $0x8050, s2;
	[tilespmem:s5+$0x0] =	vst.add.f32.msk $0xffff, v5  }
0xc3: {  	s30 =	sor.u32 $0x8060, s2;
	s4 =	sor.u32 $0x8030, s2;
	s0 =	sor.u32 $0x8020, s2;
	[tilespmem:s7+$0x0] =	vst.add.f32.msk $0xffff, v6  }
.LBB2_11:
0xc4: {  	s28 =	sadd.s32 $0x8, s28;
	[tilespmem:s0+$0x0] =	vst.add.f32.msk $0xffff, v4  }
0xc5: {  	s26 =	sadd.s32 $0x400, s26;
	s0 =	sshll.u32 s28, $0x4;
	p1 =	slt.u32 s28, $0x3F8;
	[tilespmem:s4+$0x0] =	vst.add.f32.msk $0xffff, v1  }
0xc6: {  	s2 =	sand.u32 $0x1C00, s26;
	s4 =	sshll.u32 s28, $0x1;
	s0 =	sand.u32 $0x2000, s0;
	[tilespmem:s31+$0x0] =	vst.add.f32.msk $0xffff, v3  }
0xc7: {  	s0 =	sor.u32 s2, s0;
	s2 =	sand.u32 $0x380, s4;
	[tilespmem:s29+$0x0] =	vst.add.f32.msk $0xffff, v0  }
0xc8: {  	s2 =	sor.u32 s2, s0;
	[tilespmem:s30+$0x0] =	vst.add.f32.msk $0xffff, v2  }
0xc9: {  	s5 =	sor.u32 $0x8000, s2;
	s7 =	sor.u32 $0x8010, s2;
	s0 =	sor.u32 $0x8020, s2;
	v0 =	vld [tilespmem:s2+$0x70]  }
0xca: {  	s4 =	sor.u32 $0x8030, s2;
	s31 =	sor.u32 $0x8040, s2;
	s29 =	sor.u32 $0x8050, s2;
	v5 =	vld [tilespmem:s2+$0x0]  }
0xcb: {  	s30 =	sor.u32 $0x8060, s2;
	v6 =	vld [tilespmem:s2+$0x10]  }
0xcc: {  	v4 =	vld [tilespmem:s2+$0x20]  }
0xcd: {  	s21 =	sor.u32 $0x8070, s2;
	v1 =	vld [tilespmem:s2+$0x30]  }
0xce: {  	[tilespmem:s21+$0x0] =	vst.add.f32.msk $0xffff, v0  }
.Ltmp4:
0xcf: {  	v3 =	vld [tilespmem:s2+$0x40];
	(pc) =	sbr.rel @p1 .LBB2_11-.Ltmp4, $4  }
0xd0: {  	v0 =	vld [tilespmem:s2+$0x50]  }
0xd1: {  	v2 =	vld [tilespmem:s2+$0x60]  }
0xd2: {  	[tilespmem:s5+$0x0] =	vst.add.f32.msk $0xffff, v5  }
0xd3: {  	[tilespmem:s7+$0x0] =	vst.add.f32.msk $0xffff, v6  }
0xd4: {  	[tilespmem:s0+$0x0] =	vst.add.f32.msk $0xffff, v4  }
0xd5: {  	[tilespmem:s4+$0x0] =	vst.add.f32.msk $0xffff, v1  }
0xd6: {  	[tilespmem:s31+$0x0] =	vst.add.f32.msk $0xffff, v3  }
0xd7: {  	[tilespmem:s29+$0x0] =	vst.add.f32.msk $0xffff, v0  }
0xd8: {  	s7 =	sadd.s32 s3, s23;
	s23 =	simm.s32 $0x0;
	[tilespmem:s30+$0x0] =	vst.add.f32.msk $0xffff, v2  }
0xd9: {  	[hbm4b:s7+s23] =	stream.linear.scatter [tilespmem:s8], [sflag:$0x5], $0x4000, $0x38;
	[tilespmem:$0x18000] =	vst v63  }
0xda: {  	_ =	swait.ge [sflag:s20], $0x4000  }
0xdb: {  	s22 =	sor.u32 $0xC0800, s22;
	s26 =	simm.s32 $0x0;
	[sflag:s20] =	ssyncset.done $0x0  }
0xdc: {  	s2 =	simm.s32 $0x0;
	s21 =	sadd.s32 s1, s22;
	[sflag:s20] =	ssyncadd.s32 $0xFFFFC000  }
0xdd: {  	[tilespmem:s13], [sflag:$0x4] =	stream.linear.gather [hbm4b:s21+s23], $0x4000, $0x38;
	[tilespmem:$0x18000] =	vst v63  }
0xde: {  	s0 =	sand.u32 $0x2000, s26;
	s2 =	sand.u32 $0x380, s2;
	_ =	swait.ge [sflag:s14], $0x4000  }
0xdf: {  	s31 =	sand.u32 $0x1C00, s23;
	s0 =	sor.u32 s2, s0;
	[sflag:s14] =	ssyncset.done $0x0  }
0xe0: {  	s2 =	sor.u32 s31, s0;
	[sflag:s14] =	ssyncadd.s32 $0xFFFFC000  }
0xe1: {  	v1 =	vld [tilespmem:s2+$0x4070]  }
0xe2: {  	v5 =	vld [tilespmem:s2+$0x4000]  }
0xe3: {  	v6 =	vld [tilespmem:s2+$0x4010]  }
0xe4: {  	v3 =	vld [tilespmem:s2+$0x4020]  }
0xe5: {  	v0 =	vld [tilespmem:s2+$0x4030]  }
0xe6: {  	v4 =	vld [tilespmem:s2+$0x4040]  }
0xe7: {  	s0 =	sor.u32 $0xC070, s2;
	v2 =	vld [tilespmem:s2+$0x4060]  }
0xe8: {  	[tilespmem:s0+$0x0] =	vst.add.f32.msk $0xffff, v1  }
0xe9: {  	s26 =	simm.s32 $0x0;
	s5 =	sor.u32 $0xC000, s2;
	v1 =	vld [tilespmem:s2+$0x4050]  }
0xea: {  	s7 =	sor.u32 $0xC010, s2;
	s4 =	sor.u32 $0xC020, s2;
	s30 =	sor.u32 $0xC040, s2;
	[tilespmem:s5+$0x0] =	vst.add.f32.msk $0xffff, v5  }
0xeb: {  	s28 =	sor.u32 $0xC050, s2;
	s29 =	sor.u32 $0xC060, s2;
	s0 =	sor.u32 $0xC030, s2;
	[tilespmem:s7+$0x0] =	vst.add.f32.msk $0xffff, v6  }
.LBB2_13:
0xec: {  	s26 =	sadd.s32 $0x8, s26;
	[tilespmem:s4+$0x0] =	vst.add.f32.msk $0xffff, v3  }
0xed: {  	s2 =	sshll.u32 s26, $0x4;
	s4 =	sshll.u32 s26, $0x1;
	p1 =	slt.u32 s26, $0x3F8;
	[tilespmem:s0+$0x0] =	vst.add.f32.msk $0xffff, v0  }
0xee: {  	s23 =	sadd.s32 $0x400, s23;
	s0 =	sand.u32 $0x2000, s2;
	s2 =	sand.u32 $0x380, s4;
	[tilespmem:s30+$0x0] =	vst.add.f32.msk $0xffff, v4  }
0xef: {  	s4 =	sand.u32 $0x1C00, s23;
	s0 =	sor.u32 s2, s0;
	[tilespmem:s28+$0x0] =	vst.add.f32.msk $0xffff, v1  }
0xf0: {  	s2 =	sor.u32 s4, s0;
	[tilespmem:s29+$0x0] =	vst.add.f32.msk $0xffff, v2  }
0xf1: {  	s5 =	sor.u32 $0xC000, s2;
	s7 =	sor.u32 $0xC010, s2;
	s4 =	sor.u32 $0xC020, s2;
	v1 =	vld [tilespmem:s2+$0x4070]  }
0xf2: {  	s0 =	sor.u32 $0xC030, s2;
	s30 =	sor.u32 $0xC040, s2;
	s28 =	sor.u32 $0xC050, s2;
	v5 =	vld [tilespmem:s2+$0x4000]  }
0xf3: {  	s29 =	sor.u32 $0xC060, s2;
	v6 =	vld [tilespmem:s2+$0x4010]  }
0xf4: {  	v3 =	vld [tilespmem:s2+$0x4020]  }
0xf5: {  	s21 =	sor.u32 $0xC070, s2;
	v0 =	vld [tilespmem:s2+$0x4030]  }
0xf6: {  	[tilespmem:s21+$0x0] =	vst.add.f32.msk $0xffff, v1  }
.Ltmp5:
0xf7: {  	v4 =	vld [tilespmem:s2+$0x4040];
	(pc) =	sbr.rel @p1 .LBB2_13-.Ltmp5, $4  }
0xf8: {  	v1 =	vld [tilespmem:s2+$0x4050]  }
0xf9: {  	v2 =	vld [tilespmem:s2+$0x4060]  }
0xfa: {  	[tilespmem:s5+$0x0] =	vst.add.f32.msk $0xffff, v5  }
0xfb: {  	[tilespmem:s7+$0x0] =	vst.add.f32.msk $0xffff, v6  }
0xfc: {  	[tilespmem:s4+$0x0] =	vst.add.f32.msk $0xffff, v3  }
0xfd: {  	[tilespmem:s0+$0x0] =	vst.add.f32.msk $0xffff, v0  }
0xfe: {  	[tilespmem:s30+$0x0] =	vst.add.f32.msk $0xffff, v4  }
0xff: {  	s26 =	sadd.s32 s3, s24;
	[tilespmem:s28+$0x0] =	vst.add.f32.msk $0xffff, v1  }
0x100: {  	s23 =	simm.s32 $0x0;
	s30 =	simm.s32 $0x0;
	s31 =	simm.s32 $0x0;
	[tilespmem:s29+$0x0] =	vst.add.f32.msk $0xffff, v2  }
0x101: {  	[hbm4b:s26+s23] =	stream.linear.scatter [tilespmem:s9], [sflag:$0x6], $0x4000, $0x38;
	[tilespmem:$0x18000] =	vst v63  }
0x102: {  	s0 =	sand.u32 $0x2000, s30;
	s2 =	sand.u32 $0x1C00, s23;
	_ =	swait.ge [sflag:s16], $0x4000  }
0x103: {  	s4 =	sand.u32 $0x380, s31;
	s0 =	sor.u32 s2, s0;
	[sflag:s16] =	ssyncset.done $0x0  }
0x104: {  	s2 =	sor.u32 s4, s0;
	[sflag:s16] =	ssyncadd.s32 $0xFFFFC000  }
0x105: {  	v0 =	vld [tilespmem:s2+$0x70]  }
0x106: {  	v5 =	vld [tilespmem:s2+$0x0]  }
0x107: {  	v6 =	vld [tilespmem:s2+$0x10]  }
0x108: {  	v4 =	vld [tilespmem:s2+$0x20]  }
0x109: {  	v1 =	vld [tilespmem:s2+$0x30]  }
0x10a: {  	v3 =	vld [tilespmem:s2+$0x40]  }
0x10b: {  	s0 =	sor.u32 $0x10070, s2;
	v2 =	vld [tilespmem:s2+$0x60]  }
0x10c: {  	[tilespmem:s0+$0x0] =	vst.add.f32.msk $0xffff, v0  }
0x10d: {  	s24 =	simm.s32 $0x0;
	s5 =	sor.u32 $0x10000, s2;
	v0 =	vld [tilespmem:s2+$0x50]  }
0x10e: {  	s7 =	sor.u32 $0x10010, s2;
	s4 =	sor.u32 $0x10030, s2;
	s29 =	sor.u32 $0x10040, s2;
	[tilespmem:s5+$0x0] =	vst.add.f32.msk $0xffff, v5  }
0x10f: {  	s26 =	sor.u32 $0x10050, s2;
	s28 =	sor.u32 $0x10060, s2;
	s0 =	sor.u32 $0x10020, s2;
	[tilespmem:s7+$0x0] =	vst.add.f32.msk $0xffff, v6  }
.LBB2_15:
0x110: {  	s24 =	sadd.s32 $0x8, s24;
	[tilespmem:s0+$0x0] =	vst.add.f32.msk $0xffff, v4  }
0x111: {  	s23 =	sadd.s32 $0x400, s23;
	s0 =	sshll.u32 s24, $0x4;
	p1 =	slt.u32 s24, $0x3F8;
	[tilespmem:s4+$0x0] =	vst.add.f32.msk $0xffff, v1  }
0x112: {  	s2 =	sand.u32 $0x1C00, s23;
	s4 =	sshll.u32 s24, $0x1;
	s0 =	sand.u32 $0x2000, s0;
	[tilespmem:s29+$0x0] =	vst.add.f32.msk $0xffff, v3  }
0x113: {  	s4 =	sand.u32 $0x380, s4;
	s0 =	sor.u32 s2, s0;
	[tilespmem:s26+$0x0] =	vst.add.f32.msk $0xffff, v0  }
0x114: {  	s2 =	sor.u32 s4, s0;
	[tilespmem:s28+$0x0] =	vst.add.f32.msk $0xffff, v2  }
0x115: {  	s5 =	sor.u32 $0x10000, s2;
	s7 =	sor.u32 $0x10010, s2;
	s0 =	sor.u32 $0x10020, s2;
	v0 =	vld [tilespmem:s2+$0x70]  }
0x116: {  	s4 =	sor.u32 $0x10030, s2;
	s29 =	sor.u32 $0x10040, s2;
	s26 =	sor.u32 $0x10050, s2;
	v5 =	vld [tilespmem:s2+$0x0]  }
0x117: {  	s28 =	sor.u32 $0x10060, s2;
	v6 =	vld [tilespmem:s2+$0x10]  }
0x118: {  	v4 =	vld [tilespmem:s2+$0x20]  }
0x119: {  	s21 =	sor.u32 $0x10070, s2;
	v1 =	vld [tilespmem:s2+$0x30]  }
0x11a: {  	[tilespmem:s21+$0x0] =	vst.add.f32.msk $0xffff, v0  }
.Ltmp6:
0x11b: {  	v3 =	vld [tilespmem:s2+$0x40];
	(pc) =	sbr.rel @p1 .LBB2_15-.Ltmp6, $4  }
0x11c: {  	v0 =	vld [tilespmem:s2+$0x50]  }
0x11d: {  	v2 =	vld [tilespmem:s2+$0x60]  }
0x11e: {  	[tilespmem:s5+$0x0] =	vst.add.f32.msk $0xffff, v5  }
0x11f: {  	[tilespmem:s7+$0x0] =	vst.add.f32.msk $0xffff, v6  }
0x120: {  	[tilespmem:s0+$0x0] =	vst.add.f32.msk $0xffff, v4  }
0x121: {  	[tilespmem:s4+$0x0] =	vst.add.f32.msk $0xffff, v1  }
0x122: {  	[tilespmem:s29+$0x0] =	vst.add.f32.msk $0xffff, v3  }
0x123: {  	s29 =	sadd.s32 s3, s25;
	[tilespmem:s26+$0x0] =	vst.add.f32.msk $0xffff, v0  }
0x124: {  	s23 =	simm.s32 $0x0;
	s30 =	simm.s32 $0x0;
	s2 =	simm.s32 $0x0;
	[tilespmem:s28+$0x0] =	vst.add.f32.msk $0xffff, v2  }
0x125: {  	[hbm4b:s29+s23] =	stream.linear.scatter [tilespmem:s11], [sflag:$0x7], $0x4000, $0x38;
	[tilespmem:$0x18000] =	vst v63  }
0x126: {  	s0 =	sand.u32 $0x2000, s30;
	s2 =	sand.u32 $0x380, s2;
	_ =	swait.ge [sflag:s18], $0x4000  }
0x127: {  	s31 =	sand.u32 $0x1C00, s23;
	s0 =	sor.u32 s2, s0;
	[sflag:s18] =	ssyncset.done $0x0  }
0x128: {  	s2 =	sor.u32 s31, s0;
	[sflag:s18] =	ssyncadd.s32 $0xFFFFC000  }
0x129: {  	v1 =	vld [tilespmem:s2+$0x4070]  }
0x12a: {  	v5 =	vld [tilespmem:s2+$0x4000]  }
0x12b: {  	v6 =	vld [tilespmem:s2+$0x4010]  }
0x12c: {  	v3 =	vld [tilespmem:s2+$0x4020]  }
0x12d: {  	v0 =	vld [tilespmem:s2+$0x4030]  }
0x12e: {  	v4 =	vld [tilespmem:s2+$0x4040]  }
0x12f: {  	s0 =	sor.u32 $0x14070, s2;
	v2 =	vld [tilespmem:s2+$0x4060]  }
0x130: {  	[tilespmem:s0+$0x0] =	vst.add.f32.msk $0xffff, v1  }
0x131: {  	s24 =	simm.s32 $0x0;
	s5 =	sor.u32 $0x14000, s2;
	v1 =	vld [tilespmem:s2+$0x4050]  }
0x132: {  	s7 =	sor.u32 $0x14010, s2;
	s4 =	sor.u32 $0x14020, s2;
	s28 =	sor.u32 $0x14040, s2;
	[tilespmem:s5+$0x0] =	vst.add.f32.msk $0xffff, v5  }
0x133: {  	s25 =	sor.u32 $0x14050, s2;
	s26 =	sor.u32 $0x14060, s2;
	s0 =	sor.u32 $0x14030, s2;
	[tilespmem:s7+$0x0] =	vst.add.f32.msk $0xffff, v6  }
.LBB2_17:
0x134: {  	s24 =	sadd.s32 $0x8, s24;
	[tilespmem:s4+$0x0] =	vst.add.f32.msk $0xffff, v3  }
0x135: {  	s2 =	sshll.u32 s24, $0x4;
	s4 =	sshll.u32 s24, $0x1;
	p1 =	slt.u32 s24, $0x3F8;
	[tilespmem:s0+$0x0] =	vst.add.f32.msk $0xffff, v0  }
0x136: {  	s23 =	sadd.s32 $0x400, s23;
	s0 =	sand.u32 $0x2000, s2;
	s2 =	sand.u32 $0x380, s4;
	[tilespmem:s28+$0x0] =	vst.add.f32.msk $0xffff, v4  }
0x137: {  	s4 =	sand.u32 $0x1C00, s23;
	s0 =	sor.u32 s2, s0;
	[tilespmem:s25+$0x0] =	vst.add.f32.msk $0xffff, v1  }
0x138: {  	s2 =	sor.u32 s4, s0;
	[tilespmem:s26+$0x0] =	vst.add.f32.msk $0xffff, v2  }
0x139: {  	s5 =	sor.u32 $0x14000, s2;
	s7 =	sor.u32 $0x14010, s2;
	s4 =	sor.u32 $0x14020, s2;
	v1 =	vld [tilespmem:s2+$0x4070]  }
0x13a: {  	s0 =	sor.u32 $0x14030, s2;
	s28 =	sor.u32 $0x14040, s2;
	s25 =	sor.u32 $0x14050, s2;
	v5 =	vld [tilespmem:s2+$0x4000]  }
0x13b: {  	s26 =	sor.u32 $0x14060, s2;
	v6 =	vld [tilespmem:s2+$0x4010]  }
0x13c: {  	v3 =	vld [tilespmem:s2+$0x4020]  }
0x13d: {  	s21 =	sor.u32 $0x14070, s2;
	v0 =	vld [tilespmem:s2+$0x4030]  }
0x13e: {  	[tilespmem:s21+$0x0] =	vst.add.f32.msk $0xffff, v1  }
.Ltmp7:
0x13f: {  	v4 =	vld [tilespmem:s2+$0x4040];
	(pc) =	sbr.rel @p1 .LBB2_17-.Ltmp7, $4  }
0x140: {  	v1 =	vld [tilespmem:s2+$0x4050]  }
0x141: {  	v2 =	vld [tilespmem:s2+$0x4060]  }
0x142: {  	[tilespmem:s5+$0x0] =	vst.add.f32.msk $0xffff, v5  }
0x143: {  	[tilespmem:s7+$0x0] =	vst.add.f32.msk $0xffff, v6  }
0x144: {  	[tilespmem:s4+$0x0] =	vst.add.f32.msk $0xffff, v3  }
0x145: {  	[tilespmem:s0+$0x0] =	vst.add.f32.msk $0xffff, v0  }
0x146: {  	[tilespmem:s28+$0x0] =	vst.add.f32.msk $0xffff, v4  }
0x147: {  	[tilespmem:s25+$0x0] =	vst.add.f32.msk $0xffff, v1  }
0x148: {  	s31 =	sadd.s32 s3, s22;
	s2 =	simm.s32 $0x0;
	[tilespmem:s26+$0x0] =	vst.add.f32.msk $0xffff, v2  }
0x149: {  	[hbm4b:s31+s2] =	stream.linear.scatter [tilespmem:s13], [sflag:$0x8], $0x4000, $0x38;
	[tilespmem:$0x18000] =	vst v63  }
0x14a: {  	_ =	swait.ge [sflag:s15], $0x4000  }
0x14b: {  	[sflag:s15] =	ssyncset.done $0x0  }
0x14c: {  	[sflag:s15] =	ssyncadd.s32 $0xFFFFC000  }
0x14d: {  	_ =	swait.ge [sflag:s17], $0x4000  }
0x14e: {  	[sflag:s17] =	ssyncset.done $0x0  }
0x14f: {  	[sflag:s17] =	ssyncadd.s32 $0xFFFFC000  }
0x150: {  	_ =	swait.ge [sflag:s19], $0x4000  }
.Ltmp8:
0x151: {  	[sflag:s19] =	ssyncset.done $0x0;
	(pc) =	sbr.rel @p0 .LBB2_2-.Ltmp8, $4  }
0x152: {  	[sflag:s19] =	ssyncadd.s32 $0xFFFFC000  }
0x153: {  	_ =	swait.ge [sflag:s20], $0x4000  }
0x154: {  	[sflag:s20] =	ssyncset.done $0x0  }
0x155: {  	s0 =	simm.s32 $0x1000;
	p1 =	por $0x0, $0x0;
	[sflag:s20] =	ssyncadd.s32 $0xFFFFC000  }
0x156: {  	s2 =	rddreg [dreg:$0x5]  }
0x157: {  	s0 =	rddreg [dreg:$0x4];
	s2 =	sadd.s32 $0x1, s2  }
0x158: {  	p0 =	sne.s32 s2, s0  }
.Ltmp9:
0x159: {  	_ = 	snop;
	(pc) =	sbr.rel @p0 .LBB2_1-.Ltmp9, $1  }
0x15a: {  	_ =	sdelay $0x3  }
0x15b: {  	_ =	sfence.sel $0x180000  }
0x15c: {  	[bflag:$0x0] =	sbarrier.arrive $0xFFFF  }
0x15d: {  	_ =	strace $0x90000047  }
0x15e: {  	s0 =	stileid.u32;
	[bflag:$0x2] =	sbarrier.arrive $0xFFFF  }
0x15f: {  	p0 =	sne.s32 s0, $0x0;
	s0 =	rddreg [dreg:$0x3]  }
0x160: {  	s0 =	sadd.s32 @!p0 $0x100000, s0  }
0x161: {  	[sflag:s0] =	ssyncadd.tile.s32 @!p0 $0x1;
	_ =	shalt  }
.Lfunc_end2:
_tile_overlayer_lowered:
.L_overlay_start_2:
0x162: {  	(tag) =	ssettag $0x2  }
0x163: {  	s0 =	rddreg [dreg:$0x0];
	s2 =	stileid.u32  }
0x164: {  	s1 =	rddreg [dreg:$0x1];
	p0 =	sne.s32 s2, $0x0  }
0x165: {  	s3 =	rddreg [dreg:$0x2];
	[bflag:$0x3] =	sbarrier.arrive $0xFFFF;
	s2 =	simm.s32 @!p0 $0x1C09  }
0x166: {  	[timem:s3], [sflag:s2] =	dma.local @!p0 [hbm:s0], s1  }
0x167: {  	s0 =	simm.s32 @!p0 $0x9  }
0x168: {  	_ =	swait.ge @!p0 [sflag:s0], s1  }
0x169: {  	s1 =	ssub.s32 @!p0 $0x0, s1;
	[sflag:s0] =	ssyncset.done @!p0 $0x0  }
0x16a: {  	[sflag:s0] =	ssyncadd.s32 @!p0 s1  }
0x16b: {  	[bflag:$0x3] =	sbarrier.arrive $0xFFFF  }
0x16c: {  	_ =	shalt  }

</sc_bundles>
